<compile_context>
chip_gen: v7x
topology: tpu7x:2x2x1
jax: 0.10.2.dev20260603
libtpu: 0.0.44.dev20260713+nightly
codegen_flags: <defaults>
</compile_context>

<pallas_src>
import functools

import jax
import jax.numpy as jnp
from jax import lax
from jax.experimental import pallas as pl
from jax.experimental.pallas import tpu as pltpu
from jax.experimental.pallas import tpu_sc as plsc

S = 2048
D = 1024
H = 16
HD = 64
K = 32
BLK = 256
SLAB = BLK + 2 * K
NBLK = S // BLK
NEG = -1e30



def _routing_body(c_ref, rank_ref, perm_ref, lo_ref, cs_ref):
    c_all = c_ref[0, :].reshape(1, S)
    i_all = lax.broadcasted_iota(jnp.int32, (BLK, S), 1)
    for b in range(NBLK):
        c_blk = c_ref[0, pl.ds(b * BLK, BLK)].reshape(BLK, 1)
        ja = i_all
        jb = lax.broadcasted_iota(jnp.int32, (BLK, S), 0) + b * BLK
        less = (c_all < c_blk) | ((c_all == c_blk) & (ja < jb))
        rank_ref[0, pl.ds(b * BLK, BLK)] = jnp.sum(less.astype(jnp.int32), axis=1)
    rank_all = rank_ref[0, :].reshape(1, S)
    for b in range(NBLK):
        p = lax.broadcasted_iota(jnp.int32, (BLK, S), 0) + b * BLK
        eq = rank_all == p
        cs_ref[0, pl.ds(b * BLK, BLK)] = jnp.sum(jnp.where(eq, c_all, 0.0), axis=1)
        perm_ref[0, pl.ds(b * BLK, BLK)] = jnp.sum(jnp.where(eq, i_all, 0), axis=1)
    cs = cs_ref[0:1, :]
    pad = K - 1
    e = jnp.concatenate([
        jnp.broadcast_to(cs[0:1, 0:1], (1, pad)), cs[:, : S - K + 1],
        jnp.broadcast_to(cs[0:1, S - K:S - K + 1], (1, pad)),
    ], axis=1)
    f = jnp.concatenate([
        jnp.broadcast_to(cs[0:1, K - 1:K], (1, pad)), cs[:, K - 1:],
        jnp.broadcast_to(cs[0:1, S - 1:S], (1, pad)),
    ], axis=1)
    best_cost = jnp.full((1, S), jnp.inf, jnp.float32)
    best_j = jnp.zeros((1, S), jnp.int32)
    for j in range(K):
        cl = e[:, j:j + S]
        cr = f[:, j:j + S]
        cost = jnp.maximum(cs - cl, cr - cs)
        upd = cost < best_cost
        best_cost = jnp.where(upd, cost, best_cost)
        best_j = jnp.where(upd, j, best_j)
    p = lax.broadcasted_iota(jnp.int32, (1, S), 1)
    lo_ref[...] = jnp.clip(p + best_j - (K - 1), 0, S - K)


def _routing(c2):
    return pl.pallas_call(
        _routing_body,
        in_specs=[pl.BlockSpec((1, S), lambda: (0, 0))],
        out_specs=[pl.BlockSpec((1, S), lambda: (0, 0)),
                   pl.BlockSpec((1, S), lambda: (0, 0)),
                   pl.BlockSpec((1, S), lambda: (0, 0))],
        out_shape=[jax.ShapeDtypeStruct((1, S), jnp.int32),
                   jax.ShapeDtypeStruct((1, S), jnp.int32),
                   jax.ShapeDtypeStruct((1, S), jnp.int32)],
        scratch_shapes=[pltpu.VMEM((1, S), jnp.float32)],
    )(c2)



_SC_WORKERS = 32
_ROWS_PER_W = S // _SC_WORKERS


def _sc_gather_rows(table, idx):
    mesh = plsc.VectorSubcoreMesh(core_axis_name="c", subcore_axis_name="s")

    @functools.partial(
        pl.kernel, mesh=mesh,
        out_type=jax.ShapeDtypeStruct((S, D), jnp.float32),
        scratch_types=[
            pltpu.VMEM((_ROWS_PER_W,), jnp.int32),
            pltpu.VMEM((_ROWS_PER_W, D), jnp.float32),
            pltpu.SemaphoreType.DMA,
        ],
    )
    def k(table_hbm, idx_hbm, out_hbm, idx_v, rows_v, sem):
        wid = lax.axis_index("s") * 2 + lax.axis_index("c")
        base = wid * _ROWS_PER_W
        pltpu.sync_copy(idx_hbm.at[pl.ds(base, _ROWS_PER_W)], idx_v)
        pltpu.async_copy(table_hbm.at[idx_v], rows_v, sem).wait()
        pltpu.sync_copy(rows_v, out_hbm.at[pl.ds(base, _ROWS_PER_W)])

    return k(table, idx)



def _fused_body(xs_ref, wqkv_ref, bqkv_ref, wout_ref, bout_ref, lo_ref,
                y_ref, qkv_scr, attn_scr):
    j = pl.program_id(0)

    @pl.when(j < NBLK)
    def _qkv():
        i = j
        xb = xs_ref[...].astype(jnp.bfloat16)
        acc = jnp.dot(xb, wqkv_ref[...], preferred_element_type=jnp.float32)
        acc = acc + bqkv_ref[...]
        qscale = jnp.where(
            lax.broadcasted_iota(jnp.int32, (1, 3 * D), 1) < D,
            1.0 / float(HD) ** 0.5, 1.0)
        qkv_scr[pl.ds(i * BLK, BLK), :] = (acc * qscale).astype(jnp.bfloat16)

    @pl.when(j >= 2)
    def _attn_out():
        i = j - 2
        start = pl.multiple_of(jnp.clip(i * BLK - K, 0, S - SLAB), K)
        lo_blk = lo_ref[0, pl.ds(i * BLK, BLK)].reshape(BLK, 1)
        r = lax.broadcasted_iota(jnp.int32, (BLK, SLAB), 1) + start
        msk = (r >= lo_blk) & (r < lo_blk + K)
        for hp in range(H // 2):
            c0 = hp * 2 * HD
            q2 = qkv_scr[pl.ds(i * BLK, BLK), c0:c0 + 2 * HD]
            ks2 = qkv_scr[pl.ds(start, SLAB), D + c0:D + c0 + 2 * HD]
            vs2 = qkv_scr[pl.ds(start, SLAB), 2 * D + c0:2 * D + c0 + 2 * HD]
            for hh in range(2):
                q = q2[:, hh * HD:(hh + 1) * HD]
                ks = ks2[:, hh * HD:(hh + 1) * HD]
                vs = vs2[:, hh * HD:(hh + 1) * HD]
                scores = lax.dot_general(q, ks, (((1,), (1,)), ((), ())),
                                         preferred_element_type=jnp.float32)
                ex = jnp.exp(scores)
                attn = jnp.where(msk, ex, 0.0).astype(jnp.bfloat16)
                vsa = jnp.concatenate(
                    [vs, jnp.ones((SLAB, 1), jnp.bfloat16)], axis=1)
                ovs = lax.dot_general(attn, vsa, (((1,), (0,)), ((), ())),
                                      preferred_element_type=jnp.float32)
                rs = 1.0 / ovs[:, HD:HD + 1]
                attn_scr[:, c0 + hh * HD:c0 + (hh + 1) * HD] = ovs[:, :HD] * rs
        ab = attn_scr[...].astype(jnp.bfloat16)
        y_ref[...] = jnp.dot(ab, wout_ref[...],
                             preferred_element_type=jnp.float32) + bout_ref[...]


def _fused(x_sorted, wqkv_bf, bqkv2, wout_bf, bout2, lo2):
    return pl.pallas_call(
        _fused_body,
        grid=(NBLK + 2,),
        in_specs=[
            pl.BlockSpec((BLK, D), lambda j: (jnp.minimum(j, NBLK - 1), 0)),
            pl.BlockSpec((D, 3 * D), lambda j: (0, 0)),
            pl.BlockSpec((1, 3 * D), lambda j: (0, 0)),
            pl.BlockSpec((D, D), lambda j: (0, 0)),
            pl.BlockSpec((1, D), lambda j: (0, 0)),
            pl.BlockSpec((1, S), lambda j: (0, 0)),
        ],
        out_specs=pl.BlockSpec(
            (BLK, D), lambda j: (jnp.clip(j - 2, 0, NBLK - 1), 0)),
        out_shape=jax.ShapeDtypeStruct((S, D), jnp.float32),
        scratch_shapes=[pltpu.VMEM((S, 3 * D), jnp.bfloat16),
                        pltpu.VMEM((BLK, D), jnp.float32)],
    )(x_sorted, wqkv_bf, bqkv2, wout_bf, bout2, lo2)



def kernel(x, cantor_coords, W_qkv, b_qkv, W_out, b_out):
    x2 = x.reshape(S, D)
    c2 = cantor_coords.reshape(1, S)

    rank, perm, lo2 = _routing(c2)

    x_sorted = _sc_gather_rows(x2, perm.reshape(S))
    y = _fused(x_sorted, W_qkv.astype(jnp.bfloat16), b_qkv.reshape(1, 3 * D),
               W_out.astype(jnp.bfloat16), b_out.reshape(1, D), lo2)
    out = _sc_gather_rows(y, rank.reshape(S))
    return out.reshape(1, S, D)

# --- scband reference (transcript-rebuilt; emitter-appended) ---
"""Pipeline reference for scband-cantor-attention-46523085750371 (READ-ONLY COPY).

The authoritative reference and input builder live on the scoring server;
editing this copy changes nothing except your own understanding.
"""

import jax, jax.numpy as jnp
import numpy as np

B, S, D, H, HD, K = 1, 2048, 1024, 16, 64, 32


def setup_inputs(seed: int = 0) -> dict:
    key = jax.random.key(seed)
    ks = jax.random.split(key, 6)
    x = jax.random.normal(ks[0], (B, S, D), dtype=jnp.float32)
    cantor_coords = jax.random.uniform(ks[1], (S,), dtype=jnp.float32)
    W_qkv = jax.random.normal(ks[2], (D, 3 * D), dtype=jnp.float32) * (1.0 / np.sqrt(D))
    b_qkv = jnp.zeros((3 * D,), dtype=jnp.float32)
    W_out = jax.random.normal(ks[3], (D, D), dtype=jnp.float32) * (1.0 / np.sqrt(D))
    b_out = jnp.zeros((D,), dtype=jnp.float32)
    return {"x": x, "cantor_coords": cantor_coords, "W_qkv": W_qkv, "b_qkv": b_qkv, "W_out": W_out, "b_out": b_out}


def reference(x, cantor_coords, W_qkv, b_qkv, W_out, b_out):
    scale = 1.0 / np.sqrt(HD)
    # qkv projection
    qkv = x @ W_qkv + b_qkv  # [B, S, 3D]
    qkv = qkv.reshape(B, S, 3, H, HD).transpose(2, 0, 3, 1, 4)  # [3, B, H, S, HD]
    q, k, v = qkv[0], qkv[1], qkv[2]
    # build routes from cantor coordinates: k nearest by |coord_i - coord_j|
    dist = jnp.abs(cantor_coords[:, None] - cantor_coords[None, :])  # [S, S]
    _, routes = jax.lax.top_k(-dist, K)  # smallest distances -> [S, K]
    # gather neighbor keys/values: [B, H, S, K, HD]
    k_g = jnp.take(k, routes, axis=2)
    v_g = jnp.take(v, routes, axis=2)
    scores = jnp.einsum('bhqd,bhqkd->bhqk', q, k_g) * scale
    attn = jax.nn.softmax(scores, axis=-1)
    out = jnp.einsum('bhqk,bhqkd->bhqd', attn, v_g)  # [B, H, S, HD]
    out = out.transpose(0, 2, 1, 3).reshape(B, S, D)
    return out @ W_out + b_out

if __name__ == "__main__":
    import jax
    _d = setup_inputs()
    print(jax.jit(kernel)(*tuple(_d.values())))

</pallas_src>

<mosaic_0001>
#map = affine_map<(d0, d1) -> (0, 0)>
#map1 = affine_map<(d0, d1) -> (0)>
module attributes {stable_mosaic.version = 14 : i64} {
  func.func @k(%arg0: i32, %arg1: i32, %arg2: memref<2048x1024xf32, #tpu.memory_space<hbm>>, %arg3: memref<2048xi32, #tpu.memory_space<hbm>>, %arg4: memref<2048x1024xf32, #tpu.memory_space<hbm>>, %arg5: memref<64xi32, #tpu.memory_space<vmem>>, %arg6: memref<64x1024xf32, #tpu.memory_space<vmem>>, %arg7: memref<!tpu.dma_semaphore, #tpu.memory_space<semaphore_mem>>) attributes {dimension_semantics = [#tpu.dimension_semantics<core_parallel>, #tpu.dimension_semantics<subcore_parallel>], iteration_bounds = array<i64: 2, 16>, scalar_prefetch = 0 : i64, scratch_operands = 3 : i64, tpu.core_type = #tpu.core_type<sc_vector_subcore>, window_params = [{transform_indices = #map}, {transform_indices = #map1}, {transform_indices = #map}]} {
    %mul3A = arith.constant 2 : i32
    %mul3A_0 = arith.muli %arg1, %mul3A : i32
    %add3A = arith.addi %mul3A_0, %arg0 : i32
    %mul3A_1 = arith.constant 64 : i32
    %mul3A_2 = arith.muli %add3A, %mul3A_1 : i32
    "tpu.region"() ({
      %run_scoped3A = tpu.sem_alloc : memref<!tpu.dma_semaphore, #tpu.memory_space<semaphore_mem>>
      %dma_start3A_7 = tpu.memref_slice %arg3[%mul3A_2] : memref<2048xi32, #tpu.memory_space<hbm>> -> memref<64xi32, #tpu.memory_space<hbm>>
      %dma_start3A_8 = tpu.memref_slice %arg3[%mul3A_2] : memref<2048xi32, #tpu.memory_space<hbm>> -> memref<64xi32, #tpu.memory_space<hbm>>
      tpu.enqueue_dma source(%dma_start3A_8 : memref<64xi32, #tpu.memory_space<hbm>>) target(%arg5 : memref<64xi32, #tpu.memory_space<vmem>>) target_semaphore(%run_scoped3A : memref<!tpu.dma_semaphore, #tpu.memory_space<semaphore_mem>>)
      %dma_wait3A_9 = tpu.memref_slice %arg3[%mul3A_2] : memref<2048xi32, #tpu.memory_space<hbm>> -> memref<64xi32, #tpu.memory_space<hbm>>
      %dma_wait3A_10 = tpu.memref_slice %arg3[%mul3A_2] : memref<2048xi32, #tpu.memory_space<hbm>> -> memref<64xi32, #tpu.memory_space<hbm>>
      tpu.wait_dma2 semaphore(%run_scoped3A : memref<!tpu.dma_semaphore, #tpu.memory_space<semaphore_mem>>) src(%dma_wait3A_10 : memref<64xi32, #tpu.memory_space<hbm>>) dst(%arg5 : memref<64xi32, #tpu.memory_space<vmem>>)
      tpu.yield
    }) : () -> ()
    %dma_start3A = arith.constant 0 : i32
    %dma_start3A_3 = arith.constant 0 : i32
    %dma_start3A_4 = tpu.memref_slice %arg2[%dma_start3A, %dma_start3A_3] : memref<2048x1024xf32, #tpu.memory_space<hbm>> -> memref<2048x1024xf32, #tpu.memory_space<hbm>>
    tpu.enqueue_indirect_dma source(%dma_start3A_4 : memref<2048x1024xf32, #tpu.memory_space<hbm>>) target(%arg6 : memref<64x1024xf32, #tpu.memory_space<vmem>>) offsets(%arg5 : memref<64xi32, #tpu.memory_space<vmem>>) semaphore(%arg7 : memref<!tpu.dma_semaphore, #tpu.memory_space<semaphore_mem>>)
    %dma_wait3A = arith.constant 0 : i32
    %dma_wait3A_5 = arith.constant 0 : i32
    %dma_wait3A_6 = tpu.memref_slice %arg2[%dma_wait3A, %dma_wait3A_5] : memref<2048x1024xf32, #tpu.memory_space<hbm>> -> memref<2048x1024xf32, #tpu.memory_space<hbm>>
    tpu.wait_indirect_dma semaphore(%arg7 : memref<!tpu.dma_semaphore, #tpu.memory_space<semaphore_mem>>) src(%dma_wait3A_6 : memref<2048x1024xf32, #tpu.memory_space<hbm>>) dst(%arg6 : memref<64x1024xf32, #tpu.memory_space<vmem>>)
    "tpu.region"() ({
      %run_scoped3A = tpu.sem_alloc : memref<!tpu.dma_semaphore, #tpu.memory_space<semaphore_mem>>
      %dma_start3A_7 = arith.constant 0 : i32
      %dma_start3A_8 = tpu.memref_slice %arg4[%mul3A_2, %dma_start3A_7] : memref<2048x1024xf32, #tpu.memory_space<hbm>> -> memref<64x1024xf32, #tpu.memory_space<hbm>>
      %dma_start3A_9 = arith.constant 0 : i32
      %dma_start3A_10 = tpu.memref_slice %arg4[%mul3A_2, %dma_start3A_9] : memref<2048x1024xf32, #tpu.memory_space<hbm>> -> memref<64x1024xf32, #tpu.memory_space<hbm>>
      tpu.enqueue_dma source(%arg6 : memref<64x1024xf32, #tpu.memory_space<vmem>>) target(%dma_start3A_10 : memref<64x1024xf32, #tpu.memory_space<hbm>>) target_semaphore(%run_scoped3A : memref<!tpu.dma_semaphore, #tpu.memory_space<semaphore_mem>>)
      %dma_wait3A_11 = arith.constant 0 : i32
      %dma_wait3A_12 = tpu.memref_slice %arg4[%mul3A_2, %dma_wait3A_11] : memref<2048x1024xf32, #tpu.memory_space<hbm>> -> memref<64x1024xf32, #tpu.memory_space<hbm>>
      %dma_wait3A_13 = arith.constant 0 : i32
      %dma_wait3A_14 = tpu.memref_slice %arg4[%mul3A_2, %dma_wait3A_13] : memref<2048x1024xf32, #tpu.memory_space<hbm>> -> memref<64x1024xf32, #tpu.memory_space<hbm>>
      tpu.wait_dma2 semaphore(%run_scoped3A : memref<!tpu.dma_semaphore, #tpu.memory_space<semaphore_mem>>) src(%arg6 : memref<64x1024xf32, #tpu.memory_space<vmem>>) dst(%dma_wait3A_14 : memref<64x1024xf32, #tpu.memory_space<hbm>>)
      tpu.yield
    }) : () -> ()
    return
  }
}

#map = affine_map<(d0, d1) -> (0, 0)>
#map1 = affine_map<(d0, d1) -> (0)>
module attributes {stable_mosaic.version = 14 : i64} {
  func.func @k(%arg0: i32, %arg1: i32, %arg2: memref<2048x1024xf32, #tpu.memory_space<hbm>>, %arg3: memref<2048xi32, #tpu.memory_space<hbm>>, %arg4: memref<2048x1024xf32, #tpu.memory_space<hbm>>, %arg5: memref<64xi32, #tpu.memory_space<vmem>>, %arg6: memref<64x1024xf32, #tpu.memory_space<vmem>>, %arg7: memref<!tpu.dma_semaphore, #tpu.memory_space<semaphore_mem>>) attributes {dimension_semantics = [#tpu.dimension_semantics<core_parallel>, #tpu.dimension_semantics<subcore_parallel>], iteration_bounds = array<i64: 2, 16>, scalar_prefetch = 0 : i64, scratch_operands = 3 : i64, tpu.core_type = #tpu.core_type<sc_vector_subcore>, window_params = [{transform_indices = #map}, {transform_indices = #map1}, {transform_indices = #map}]} {
    %mul3A = arith.constant 2 : i32
    %mul3A_0 = arith.muli %arg1, %mul3A : i32
    %add3A = arith.addi %mul3A_0, %arg0 : i32
    %mul3A_1 = arith.constant 64 : i32
    %mul3A_2 = arith.muli %add3A, %mul3A_1 : i32
    "tpu.region"() ({
      %run_scoped3A = tpu.sem_alloc : memref<!tpu.dma_semaphore, #tpu.memory_space<semaphore_mem>>
      %dma_start3A_7 = tpu.memref_slice %arg3[%mul3A_2] : memref<2048xi32, #tpu.memory_space<hbm>> -> memref<64xi32, #tpu.memory_space<hbm>>
      %dma_start3A_8 = tpu.memref_slice %arg3[%mul3A_2] : memref<2048xi32, #tpu.memory_space<hbm>> -> memref<64xi32, #tpu.memory_space<hbm>>
      tpu.enqueue_dma source(%dma_start3A_8 : memref<64xi32, #tpu.memory_space<hbm>>) target(%arg5 : memref<64xi32, #tpu.memory_space<vmem>>) target_semaphore(%run_scoped3A : memref<!tpu.dma_semaphore, #tpu.memory_space<semaphore_mem>>)
      %dma_wait3A_9 = tpu.memref_slice %arg3[%mul3A_2] : memref<2048xi32, #tpu.memory_space<hbm>> -> memref<64xi32, #tpu.memory_space<hbm>>
      %dma_wait3A_10 = tpu.memref_slice %arg3[%mul3A_2] : memref<2048xi32, #tpu.memory_space<hbm>> -> memref<64xi32, #tpu.memory_space<hbm>>
      tpu.wait_dma2 semaphore(%run_scoped3A : memref<!tpu.dma_semaphore, #tpu.memory_space<semaphore_mem>>) src(%dma_wait3A_10 : memref<64xi32, #tpu.memory_space<hbm>>) dst(%arg5 : memref<64xi32, #tpu.memory_space<vmem>>)
      tpu.yield
    }) : () -> ()
    %dma_start3A = arith.constant 0 : i32
    %dma_start3A_3 = arith.constant 0 : i32
    %dma_start3A_4 = tpu.memref_slice %arg2[%dma_start3A, %dma_start3A_3] : memref<2048x1024xf32, #tpu.memory_space<hbm>> -> memref<2048x1024xf32, #tpu.memory_space<hbm>>
    tpu.enqueue_indirect_dma source(%dma_start3A_4 : memref<2048x1024xf32, #tpu.memory_space<hbm>>) target(%arg6 : memref<64x1024xf32, #tpu.memory_space<vmem>>) offsets(%arg5 : memref<64xi32, #tpu.memory_space<vmem>>) semaphore(%arg7 : memref<!tpu.dma_semaphore, #tpu.memory_space<semaphore_mem>>)
    %dma_wait3A = arith.constant 0 : i32
    %dma_wait3A_5 = arith.constant 0 : i32
    %dma_wait3A_6 = tpu.memref_slice %arg2[%dma_wait3A, %dma_wait3A_5] : memref<2048x1024xf32, #tpu.memory_space<hbm>> -> memref<2048x1024xf32, #tpu.memory_space<hbm>>
    tpu.wait_indirect_dma semaphore(%arg7 : memref<!tpu.dma_semaphore, #tpu.memory_space<semaphore_mem>>) src(%dma_wait3A_6 : memref<2048x1024xf32, #tpu.memory_space<hbm>>) dst(%arg6 : memref<64x1024xf32, #tpu.memory_space<vmem>>)
    "tpu.region"() ({
      %run_scoped3A = tpu.sem_alloc : memref<!tpu.dma_semaphore, #tpu.memory_space<semaphore_mem>>
      %dma_start3A_7 = arith.constant 0 : i32
      %dma_start3A_8 = tpu.memref_slice %arg4[%mul3A_2, %dma_start3A_7] : memref<2048x1024xf32, #tpu.memory_space<hbm>> -> memref<64x1024xf32, #tpu.memory_space<hbm>>
      %dma_start3A_9 = arith.constant 0 : i32
      %dma_start3A_10 = tpu.memref_slice %arg4[%mul3A_2, %dma_start3A_9] : memref<2048x1024xf32, #tpu.memory_space<hbm>> -> memref<64x1024xf32, #tpu.memory_space<hbm>>
      tpu.enqueue_dma source(%arg6 : memref<64x1024xf32, #tpu.memory_space<vmem>>) target(%dma_start3A_10 : memref<64x1024xf32, #tpu.memory_space<hbm>>) target_semaphore(%run_scoped3A : memref<!tpu.dma_semaphore, #tpu.memory_space<semaphore_mem>>)
      %dma_wait3A_11 = arith.constant 0 : i32
      %dma_wait3A_12 = tpu.memref_slice %arg4[%mul3A_2, %dma_wait3A_11] : memref<2048x1024xf32, #tpu.memory_space<hbm>> -> memref<64x1024xf32, #tpu.memory_space<hbm>>
      %dma_wait3A_13 = arith.constant 0 : i32
      %dma_wait3A_14 = tpu.memref_slice %arg4[%mul3A_2, %dma_wait3A_13] : memref<2048x1024xf32, #tpu.memory_space<hbm>> -> memref<64x1024xf32, #tpu.memory_space<hbm>>
      tpu.wait_dma2 semaphore(%run_scoped3A : memref<!tpu.dma_semaphore, #tpu.memory_space<semaphore_mem>>) src(%arg6 : memref<64x1024xf32, #tpu.memory_space<vmem>>) dst(%dma_wait3A_14 : memref<64x1024xf32, #tpu.memory_space<hbm>>)
      tpu.yield
    }) : () -> ()
    return
  }
}

module attributes {stable_mosaic.version = 14 : i64} {
  func.func @_fused_body(%arg0: i32, %arg1: memref<256x1024xf32, #tpu.memory_space<vmem>>, %arg2: memref<1024x3072xbf16, #tpu.memory_space<vmem>>, %arg3: memref<1x3072xf32, #tpu.memory_space<vmem>>, %arg4: memref<1024x1024xbf16, #tpu.memory_space<vmem>>, %arg5: memref<1x1024xf32, #tpu.memory_space<vmem>>, %arg6: memref<1x2048xi32, #tpu.memory_space<vmem>>, %arg7: memref<256x1024xf32, #tpu.memory_space<vmem>>, %arg8: memref<2048x3072xbf16, #tpu.memory_space<vmem>>, %arg9: memref<256x1024xf32, #tpu.memory_space<vmem>>) attributes {dimension_semantics = [#tpu.dimension_semantics<arbitrary>], iteration_bounds = array<i64: 10>, scalar_prefetch = 0 : i64, scratch_operands = 2 : i64, tpu.core_type = #tpu.core_type<tc>, window_params = [{transform_indices = @transform_0, window_bounds = array<i64: 256, 1024>}, {pipeline_mode = #tpu.pipeline_mode<synchronous>, transform_indices = @transform_1, window_bounds = array<i64: 1024, 3072>}, {pipeline_mode = #tpu.pipeline_mode<synchronous>, transform_indices = @transform_2, window_bounds = array<i64: 1, 3072>}, {pipeline_mode = #tpu.pipeline_mode<synchronous>, transform_indices = @transform_3, window_bounds = array<i64: 1024, 1024>}, {pipeline_mode = #tpu.pipeline_mode<synchronous>, transform_indices = @transform_4, window_bounds = array<i64: 1, 1024>}, {pipeline_mode = #tpu.pipeline_mode<synchronous>, transform_indices = @transform_5, window_bounds = array<i64: 1, 2048>}, {transform_indices = @transform_6, window_bounds = array<i64: 256, 1024>}]} {
    %lt3A = arith.constant 8 : i32
    %lt3A_0 = arith.cmpi slt, %arg0, %lt3A : i32
    %convert_element_type3A = arith.extui %lt3A_0 : i1 to i32
    %cond3A = arith.constant 0 : i32
    %cond3A_1 = arith.cmpi ne, %convert_element_type3A, %cond3A : i32
    scf.if %cond3A_1 {
      %get3A = arith.constant 0 : index
      %get3A_6 = arith.constant 0 : index
      %get3A_7 = vector.load %arg1[%get3A, %get3A_6] : memref<256x1024xf32, #tpu.memory_space<vmem>>, vector<256x1024xf32>
      %convert_element_type3A_8 = arith.truncf %get3A_7 : vector<256x1024xf32> to vector<256x1024xbf16>
      %get3A_9 = arith.constant 0 : index
      %get3A_10 = arith.constant 0 : index
      %get3A_11 = vector.load %arg2[%get3A_9, %get3A_10] : memref<1024x3072xbf16, #tpu.memory_space<vmem>>, vector<1024x3072xbf16>
      %dot_general3A = arith.constant dense<0.000000e+00> : vector<256x3072xf32>
      %dot_general3A_12 = tpu.matmul %convert_element_type3A_8, %get3A_11, %dot_general3A {dimension_numbers = #tpu.dot_dimension_numbers<[1], [0], [0], [1], [0, 0, 1, 1], [], []>, transpose_lhs_hint = false} : vector<256x1024xbf16>, vector<1024x3072xbf16>, vector<256x3072xf32> -> vector<256x3072xf32>
      %get3A_13 = arith.constant 0 : index
      %get3A_14 = arith.constant 0 : index
      %get3A_15 = vector.load %arg3[%get3A_13, %get3A_14] : memref<1x3072xf32, #tpu.memory_space<vmem>>, vector<1x3072xf32>
      %add3A = vector.broadcast %get3A_15 : vector<1x3072xf32> to vector<256x3072xf32>
      %add3A_16 = arith.addf %dot_general3A_12, %add3A : vector<256x3072xf32>
      %iota3A = tpu.iota {dimensions = array<i32: 1>} : vector<1x3072xi32>
      %lt3A_17 = arith.constant 1024 : i32
      %lt3A_18 = vector.broadcast %lt3A_17 : i32 to vector<1x3072xi32>
      %lt3A_19 = arith.cmpi slt, %iota3A, %lt3A_18 : vector<1x3072xi32>
      %jit3A = arith.constant 1.250000e-01 : f32
      %jit3A_20 = arith.constant 1.000000e+00 : f32
      %broadcast_in_dim3A = vector.broadcast %jit3A : f32 to vector<1x3072xf32>
      %broadcast_in_dim3A_21 = vector.broadcast %jit3A_20 : f32 to vector<1x3072xf32>
      %select_n3A = arith.select %lt3A_19, %broadcast_in_dim3A, %broadcast_in_dim3A_21 : vector<1x3072xi1>, vector<1x3072xf32>
      %mul3A = vector.broadcast %select_n3A : vector<1x3072xf32> to vector<256x3072xf32>
      %mul3A_22 = arith.mulf %add3A_16, %mul3A : vector<256x3072xf32>
      %convert_element_type3A_23 = arith.truncf %mul3A_22 : vector<256x3072xf32> to vector<256x3072xbf16>
      %mul3A_24 = arith.constant 256 : i32
      %mul3A_25 = arith.muli %arg0, %mul3A_24 : i32
      %swap3A = arith.index_cast %mul3A_25 : i32 to index
      %swap3A_26 = arith.constant 0 : index
      %swap3A_27 = vector.load %arg8[%swap3A, %swap3A_26] : memref<2048x3072xbf16, #tpu.memory_space<vmem>>, vector<256x3072xbf16>
      tpu.vector_store %arg8[%swap3A, %swap3A_26], %convert_element_type3A_23 {strides = array<i32>} : memref<2048x3072xbf16, #tpu.memory_space<vmem>>, vector<256x3072xbf16>,
    } else {
    }
    %ge3A = arith.constant 2 : i32
    %ge3A_2 = arith.cmpi sge, %arg0, %ge3A : i32
    %convert_element_type3A_3 = arith.extui %ge3A_2 : i1 to i32
    %cond3A_4 = arith.constant 0 : i32
    %cond3A_5 = arith.cmpi ne, %convert_element_type3A_3, %cond3A_4 : i32
    scf.if %cond3A_5 {
      %sub3A = arith.constant 2 : i32
      %sub3A_6 = arith.subi %arg0, %sub3A : i32
      %mul3A = arith.constant 256 : i32
      %mul3A_7 = arith.muli %sub3A_6, %mul3A : i32
      %sub3A_8 = arith.constant 32 : i32
      %sub3A_9 = arith.subi %mul3A_7, %sub3A_8 : i32
      %jit3A = arith.constant 0 : i32
      %jit3A_10 = arith.constant 1728 : i32
      %max3A = arith.maxsi %jit3A, %sub3A_9 : i32
      %min3A = arith.minsi %jit3A_10, %max3A : i32
      %multiple_of3A = tpu.assume_multiple %min3A, 32 : i32
      %mul3A_11 = arith.constant 256 : i32
      %mul3A_12 = arith.muli %sub3A_6, %mul3A_11 : i32
      %get3A = arith.constant 0 : index
      %get3A_13 = arith.index_cast %mul3A_12 : i32 to index
      %get3A_14 = vector.load %arg6[%get3A, %get3A_13] : memref<1x2048xi32, #tpu.memory_space<vmem>>, vector<1x256xi32>
      %get3A_15 = vector.shape_cast %get3A_14 : vector<1x256xi32> to vector<256xi32>
      %reshape3A = vector.shape_cast %get3A_15 : vector<256xi32> to vector<256x1xi32>
      %iota3A = tpu.iota {dimensions = array<i32: 1>} : vector<256x320xi32>
      %add3A = vector.broadcast %multiple_of3A : i32 to vector<256x320xi32>
      %add3A_16 = arith.addi %iota3A, %add3A : vector<256x320xi32>
      %ge3A_17 = vector.broadcast %reshape3A : vector<256x1xi32> to vector<256x320xi32>
      %ge3A_18 = arith.cmpi sge, %add3A_16, %ge3A_17 : vector<256x320xi32>
      %add3A_19 = arith.constant 32 : i32
      %add3A_20 = vector.broadcast %add3A_19 : i32 to vector<256x1xi32>
      %add3A_21 = arith.addi %reshape3A, %add3A_20 : vector<256x1xi32>
      %lt3A_22 = vector.broadcast %add3A_21 : vector<256x1xi32> to vector<256x320xi32>
      %lt3A_23 = arith.cmpi slt, %add3A_16, %lt3A_22 : vector<256x320xi32>
      %and3A = arith.andi %ge3A_18, %lt3A_23 : vector<256x320xi1>
      %mul3A_24 = arith.constant 256 : i32
      %mul3A_25 = arith.muli %sub3A_6, %mul3A_24 : i32
      %get3A_26 = arith.index_cast %mul3A_25 : i32 to index
      %get3A_27 = arith.constant 0 : index
      %get3A_28 = vector.load %arg8[%get3A_26, %get3A_27] : memref<2048x3072xbf16, #tpu.memory_space<vmem>>, vector<256x128xbf16>
      %get3A_29 = arith.index_cast %multiple_of3A : i32 to index
      %get3A_30 = arith.constant 1024 : index
      %get3A_31 = vector.load %arg8[%get3A_29, %get3A_30] : memref<2048x3072xbf16, #tpu.memory_space<vmem>>, vector<320x128xbf16>
      %get3A_32 = arith.index_cast %multiple_of3A : i32 to index
      %get3A_33 = arith.constant 2048 : index
      %get3A_34 = vector.load %arg8[%get3A_32, %get3A_33] : memref<2048x3072xbf16, #tpu.memory_space<vmem>>, vector<320x128xbf16>
      %slice3A = vector.extract_strided_slice %get3A_28 {offsets = [0, 0], sizes = [256, 64], strides = [1, 1]} : vector<256x128xbf16> to vector<256x64xbf16>
      %slice3A_35 = vector.extract_strided_slice %get3A_31 {offsets = [0, 0], sizes = [320, 64], strides = [1, 1]} : vector<320x128xbf16> to vector<320x64xbf16>
      %slice3A_36 = vector.extract_strided_slice %get3A_34 {offsets = [0, 0], sizes = [320, 64], strides = [1, 1]} : vector<320x128xbf16> to vector<320x64xbf16>
      %dot_general3A = arith.constant dense<0.000000e+00> : vector<256x320xf32>
      %dot_general3A_37 = tpu.matmul %slice3A, %slice3A_35, %dot_general3A {dimension_numbers = #tpu.dot_dimension_numbers<[1], [1], [0], [0], [0, 0, 1, 0], [], []>, transpose_lhs_hint = false} : vector<256x64xbf16>, vector<320x64xbf16>, vector<256x320xf32> -> vector<256x320xf32>
      %exp3A = math.exp %dot_general3A_37 : vector<256x320xf32>
      %jit3A_38 = arith.constant 0.000000e+00 : f32
      %broadcast_in_dim3A = vector.broadcast %jit3A_38 : f32 to vector<256x320xf32>
      %select_n3A = arith.select %and3A, %exp3A, %broadcast_in_dim3A : vector<256x320xi1>, vector<256x320xf32>
      %convert_element_type3A_39 = arith.truncf %select_n3A : vector<256x320xf32> to vector<256x320xbf16>
      %broadcast_in_dim3A_40 = arith.constant 1.000000e+00 : bf16
      %broadcast_in_dim3A_41 = vector.broadcast %broadcast_in_dim3A_40 : bf16 to vector<320x1xbf16>
      %concatenate3A = tpu.concatenate %slice3A_36, %broadcast_in_dim3A_41 in 1 : vector<320x64xbf16>, vector<320x1xbf16> -> vector<320x65xbf16>
      %dot_general3A_42 = arith.constant dense<0.000000e+00> : vector<256x65xf32>
      %dot_general3A_43 = tpu.matmul %convert_element_type3A_39, %concatenate3A, %dot_general3A_42 {dimension_numbers = #tpu.dot_dimension_numbers<[1], [0], [0], [1], [0, 0, 1, 1], [], []>, transpose_lhs_hint = false} : vector<256x320xbf16>, vector<320x65xbf16>, vector<256x65xf32> -> vector<256x65xf32>
      %slice3A_44 = vector.extract_strided_slice %dot_general3A_43 {offsets = [0, 64], sizes = [256, 1], strides = [1, 1]} : vector<256x65xf32> to vector<256x1xf32>
      %div3A = arith.constant 1.000000e+00 : f32
      %div3A_45 = vector.broadcast %div3A : f32 to vector<256x1xf32>
      %div3A_46 = arith.divf %div3A_45, %slice3A_44 : vector<256x1xf32>
      %slice3A_47 = vector.extract_strided_slice %dot_general3A_43 {offsets = [0, 0], sizes = [256, 64], strides = [1, 1]} : vector<256x65xf32> to vector<256x64xf32>
      %mul3A_48 = vector.broadcast %div3A_46 : vector<256x1xf32> to vector<256x64xf32>
      %mul3A_49 = arith.mulf %slice3A_47, %mul3A_48 : vector<256x64xf32>
      %swap3A = arith.constant 0 : index
      %swap3A_50 = arith.constant 0 : index
      %swap3A_51 = vector.load %arg9[%swap3A, %swap3A_50] : memref<256x1024xf32, #tpu.memory_space<vmem>>, vector<256x64xf32>
      tpu.vector_store %arg9[%swap3A, %swap3A_50], %mul3A_49 {strides = array<i32>} : memref<256x1024xf32, #tpu.memory_space<vmem>>, vector<256x64xf32>,
      %slice3A_52 = vector.extract_strided_slice %get3A_28 {offsets = [0, 64], sizes = [256, 64], strides = [1, 1]} : vector<256x128xbf16> to vector<256x64xbf16>
      %slice3A_53 = vector.extract_strided_slice %get3A_31 {offsets = [0, 64], sizes = [320, 64], strides = [1, 1]} : vector<320x128xbf16> to vector<320x64xbf16>
      %slice3A_54 = vector.extract_strided_slice %get3A_34 {offsets = [0, 64], sizes = [320, 64], strides = [1, 1]} : vector<320x128xbf16> to vector<320x64xbf16>
      %dot_general3A_55 = arith.constant dense<0.000000e+00> : vector<256x320xf32>
      %dot_general3A_56 = tpu.matmul %slice3A_52, %slice3A_53, %dot_general3A_55 {dimension_numbers = #tpu.dot_dimension_numbers<[1], [1], [0], [0], [0, 0, 1, 0], [], []>, transpose_lhs_hint = false} : vector<256x64xbf16>, vector<320x64xbf16>, vector<256x320xf32> -> vector<256x320xf32>
      %exp3A_57 = math.exp %dot_general3A_56 : vector<256x320xf32>
      %jit3A_58 = arith.constant 0.000000e+00 : f32
      %broadcast_in_dim3A_59 = vector.broadcast %jit3A_58 : f32 to vector<256x320xf32>
      %select_n3A_60 = arith.select %and3A, %exp3A_57, %broadcast_in_dim3A_59 : vector<256x320xi1>, vector<256x320xf32>
      %convert_element_type3A_61 = arith.truncf %select_n3A_60 : vector<256x320xf32> to vector<256x320xbf16>
      %broadcast_in_dim3A_62 = arith.constant 1.000000e+00 : bf16
      %broadcast_in_dim3A_63 = vector.broadcast %broadcast_in_dim3A_62 : bf16 to vector<320x1xbf16>
      %concatenate3A_64 = tpu.concatenate %slice3A_54, %broadcast_in_dim3A_63 in 1 : vector<320x64xbf16>, vector<320x1xbf16> -> vector<320x65xbf16>
      %dot_general3A_65 = arith.constant dense<0.000000e+00> : vector<256x65xf32>
      %dot_general3A_66 = tpu.matmul %convert_element_type3A_61, %concatenate3A_64, %dot_general3A_65 {dimension_numbers = #tpu.dot_dimension_numbers<[1], [0], [0], [1], [0, 0, 1, 1], [], []>, transpose_lhs_hint = false} : vector<256x320xbf16>, vector<320x65xbf16>, vector<256x65xf32> -> vector<256x65xf32>
      %slice3A_67 = vector.extract_strided_slice %dot_general3A_66 {offsets = [0, 64], sizes = [256, 1], strides = [1, 1]} : vector<256x65xf32> to vector<256x1xf32>
      %div3A_68 = arith.constant 1.000000e+00 : f32
      %div3A_69 = vector.broadcast %div3A_68 : f32 to vector<256x1xf32>
      %div3A_70 = arith.divf %div3A_69, %slice3A_67 : vector<256x1xf32>
      %slice3A_71 = vector.extract_strided_slice %dot_general3A_66 {offsets = [0, 0], sizes = [256, 64], strides = [1, 1]} : vector<256x65xf32> to vector<256x64xf32>
      %mul3A_72 = vector.broadcast %div3A_70 : vector<256x1xf32> to vector<256x64xf32>
      %mul3A_73 = arith.mulf %slice3A_71, %mul3A_72 : vector<256x64xf32>
      %swap3A_74 = arith.constant 0 : index
      %swap3A_75 = arith.constant 64 : index
      %swap3A_76 = vector.load %arg9[%swap3A_74, %swap3A_75] : memref<256x1024xf32, #tpu.memory_space<vmem>>, vector<256x64xf32>
      tpu.vector_store %arg9[%swap3A_74, %swap3A_75], %mul3A_73 {strides = array<i32>} : memref<256x1024xf32, #tpu.memory_space<vmem>>, vector<256x64xf32>,
      %mul3A_77 = arith.constant 256 : i32
      %mul3A_78 = arith.muli %sub3A_6, %mul3A_77 : i32
      %get3A_79 = arith.index_cast %mul3A_78 : i32 to index
      %get3A_80 = arith.constant 128 : index
      %get3A_81 = vector.load %arg8[%get3A_79, %get3A_80] : memref<2048x3072xbf16, #tpu.memory_space<vmem>>, vector<256x128xbf16>
      %get3A_82 = arith.index_cast %multiple_of3A : i32 to index
      %get3A_83 = arith.constant 1152 : index
      %get3A_84 = vector.load %arg8[%get3A_82, %get3A_83] : memref<2048x3072xbf16, #tpu.memory_space<vmem>>, vector<320x128xbf16>
      %get3A_85 = arith.index_cast %multiple_of3A : i32 to index
      %get3A_86 = arith.constant 2176 : index
      %get3A_87 = vector.load %arg8[%get3A_85, %get3A_86] : memref<2048x3072xbf16, #tpu.memory_space<vmem>>, vector<320x128xbf16>
      %slice3A_88 = vector.extract_strided_slice %get3A_81 {offsets = [0, 0], sizes = [256, 64], strides = [1, 1]} : vector<256x128xbf16> to vector<256x64xbf16>
      %slice3A_89 = vector.extract_strided_slice %get3A_84 {offsets = [0, 0], sizes = [320, 64], strides = [1, 1]} : vector<320x128xbf16> to vector<320x64xbf16>
      %slice3A_90 = vector.extract_strided_slice %get3A_87 {offsets = [0, 0], sizes = [320, 64], strides = [1, 1]} : vector<320x128xbf16> to vector<320x64xbf16>
      %dot_general3A_91 = arith.constant dense<0.000000e+00> : vector<256x320xf32>
      %dot_general3A_92 = tpu.matmul %slice3A_88, %slice3A_89, %dot_general3A_91 {dimension_numbers = #tpu.dot_dimension_numbers<[1], [1], [0], [0], [0, 0, 1, 0], [], []>, transpose_lhs_hint = false} : vector<256x64xbf16>, vector<320x64xbf16>, vector<256x320xf32> -> vector<256x320xf32>
      %exp3A_93 = math.exp %dot_general3A_92 : vector<256x320xf32>
      %jit3A_94 = arith.constant 0.000000e+00 : f32
      %broadcast_in_dim3A_95 = vector.broadcast %jit3A_94 : f32 to vector<256x320xf32>
      %select_n3A_96 = arith.select %and3A, %exp3A_93, %broadcast_in_dim3A_95 : vector<256x320xi1>, vector<256x320xf32>
      %convert_element_type3A_97 = arith.truncf %select_n3A_96 : vector<256x320xf32> to vector<256x320xbf16>
      %broadcast_in_dim3A_98 = arith.constant 1.000000e+00 : bf16
      %broadcast_in_dim3A_99 = vector.broadcast %broadcast_in_dim3A_98 : bf16 to vector<320x1xbf16>
      %concatenate3A_100 = tpu.concatenate %slice3A_90, %broadcast_in_dim3A_99 in 1 : vector<320x64xbf16>, vector<320x1xbf16> -> vector<320x65xbf16>
      %dot_general3A_101 = arith.constant dense<0.000000e+00> : vector<256x65xf32>
      %dot_general3A_102 = tpu.matmul %convert_element_type3A_97, %concatenate3A_100, %dot_general3A_101 {dimension_numbers = #tpu.dot_dimension_numbers<[1], [0], [0], [1], [0, 0, 1, 1], [], []>, transpose_lhs_hint = false} : vector<256x320xbf16>, vector<320x65xbf16>, vector<256x65xf32> -> vector<256x65xf32>
      %slice3A_103 = vector.extract_strided_slice %dot_general3A_102 {offsets = [0, 64], sizes = [256, 1], strides = [1, 1]} : vector<256x65xf32> to vector<256x1xf32>
      %div3A_104 = arith.constant 1.000000e+00 : f32
      %div3A_105 = vector.broadcast %div3A_104 : f32 to vector<256x1xf32>
      %div3A_106 = arith.divf %div3A_105, %slice3A_103 : vector<256x1xf32>
      %slice3A_107 = vector.extract_strided_slice %dot_general3A_102 {offsets = [0, 0], sizes = [256, 64], strides = [1, 1]} : vector<256x65xf32> to vector<256x64xf32>
      %mul3A_108 = vector.broadcast %div3A_106 : vector<256x1xf32> to vector<256x64xf32>
      %mul3A_109 = arith.mulf %slice3A_107, %mul3A_108 : vector<256x64xf32>
      %swap3A_110 = arith.constant 0 : index
      %swap3A_111 = arith.constant 128 : index
      %swap3A_112 = vector.load %arg9[%swap3A_110, %swap3A_111] : memref<256x1024xf32, #tpu.memory_space<vmem>>, vector<256x64xf32>
      tpu.vector_store %arg9[%swap3A_110, %swap3A_111], %mul3A_109 {strides = array<i32>} : memref<256x1024xf32, #tpu.memory_space<vmem>>, vector<256x64xf32>,
      %slice3A_113 = vector.extract_strided_slice %get3A_81 {offsets = [0, 64], sizes = [256, 64], strides = [1, 1]} : vector<256x128xbf16> to vector<256x64xbf16>
      %slice3A_114 = vector.extract_strided_slice %get3A_84 {offsets = [0, 64], sizes = [320, 64], strides = [1, 1]} : vector<320x128xbf16> to vector<320x64xbf16>
      %slice3A_115 = vector.extract_strided_slice %get3A_87 {offsets = [0, 64], sizes = [320, 64], strides = [1, 1]} : vector<320x128xbf16> to vector<320x64xbf16>
      %dot_general3A_116 = arith.constant dense<0.000000e+00> : vector<256x320xf32>
      %dot_general3A_117 = tpu.matmul %slice3A_113, %slice3A_114, %dot_general3A_116 {dimension_numbers = #tpu.dot_dimension_numbers<[1], [1], [0], [0], [0, 0, 1, 0], [], []>, transpose_lhs_hint = false} : vector<256x64xbf16>, vector<320x64xbf16>, vector<256x320xf32> -> vector<256x320xf32>
      %exp3A_118 = math.exp %dot_general3A_117 : vector<256x320xf32>
      %jit3A_119 = arith.constant 0.000000e+00 : f32
      %broadcast_in_dim3A_120 = vector.broadcast %jit3A_119 : f32 to vector<256x320xf32>
      %select_n3A_121 = arith.select %and3A, %exp3A_118, %broadcast_in_dim3A_120 : vector<256x320xi1>, vector<256x320xf32>
      %convert_element_type3A_122 = arith.truncf %select_n3A_121 : vector<256x320xf32> to vector<256x320xbf16>
      %broadcast_in_dim3A_123 = arith.constant 1.000000e+00 : bf16
      %broadcast_in_dim3A_124 = vector.broadcast %broadcast_in_dim3A_123 : bf16 to vector<320x1xbf16>
      %concatenate3A_125 = tpu.concatenate %slice3A_115, %broadcast_in_dim3A_124 in 1 : vector<320x64xbf16>, vector<320x1xbf16> -> vector<320x65xbf16>
      %dot_general3A_126 = arith.constant dense<0.000000e+00> : vector<256x65xf32>
      %dot_general3A_127 = tpu.matmul %convert_element_type3A_122, %concatenate3A_125, %dot_general3A_126 {dimension_numbers = #tpu.dot_dimension_numbers<[1], [0], [0], [1], [0, 0, 1, 1], [], []>, transpose_lhs_hint = false} : vector<256x320xbf16>, vector<320x65xbf16>, vector<256x65xf32> -> vector<256x65xf32>
      %slice3A_128 = vector.extract_strided_slice %dot_general3A_127 {offsets = [0, 64], sizes = [256, 1], strides = [1, 1]} : vector<256x65xf32> to vector<256x1xf32>
      %div3A_129 = arith.constant 1.000000e+00 : f32
      %div3A_130 = vector.broadcast %div3A_129 : f32 to vector<256x1xf32>
      %div3A_131 = arith.divf %div3A_130, %slice3A_128 : vector<256x1xf32>
      %slice3A_132 = vector.extract_strided_slice %dot_general3A_127 {offsets = [0, 0], sizes = [256, 64], strides = [1, 1]} : vector<256x65xf32> to vector<256x64xf32>
      %mul3A_133 = vector.broadcast %div3A_131 : vector<256x1xf32> to vector<256x64xf32>
      %mul3A_134 = arith.mulf %slice3A_132, %mul3A_133 : vector<256x64xf32>
      %swap3A_135 = arith.constant 0 : index
      %swap3A_136 = arith.constant 192 : index
      %swap3A_137 = vector.load %arg9[%swap3A_135, %swap3A_136] : memref<256x1024xf32, #tpu.memory_space<vmem>>, vector<256x64xf32>
      tpu.vector_store %arg9[%swap3A_135, %swap3A_136], %mul3A_134 {strides = array<i32>} : memref<256x1024xf32, #tpu.memory_space<vmem>>, vector<256x64xf32>,
      %mul3A_138 = arith.constant 256 : i32
      %mul3A_139 = arith.muli %sub3A_6, %mul3A_138 : i32
      %get3A_140 = arith.index_cast %mul3A_139 : i32 to index
      %get3A_141 = arith.constant 256 : index
      %get3A_142 = vector.load %arg8[%get3A_140, %get3A_141] : memref<2048x3072xbf16, #tpu.memory_space<vmem>>, vector<256x128xbf16>
      %get3A_143 = arith.index_cast %multiple_of3A : i32 to index
      %get3A_144 = arith.constant 1280 : index
      %get3A_145 = vector.load %arg8[%get3A_143, %get3A_144] : memref<2048x3072xbf16, #tpu.memory_space<vmem>>, vector<320x128xbf16>
      %get3A_146 = arith.index_cast %multiple_of3A : i32 to index
      %get3A_147 = arith.constant 2304 : index
      %get3A_148 = vector.load %arg8[%get3A_146, %get3A_147] : memref<2048x3072xbf16, #tpu.memory_space<vmem>>, vector<320x128xbf16>
      %slice3A_149 = vector.extract_strided_slice %get3A_142 {offsets = [0, 0], sizes = [256, 64], strides = [1, 1]} : vector<256x128xbf16> to vector<256x64xbf16>
      %slice3A_150 = vector.extract_strided_slice %get3A_145 {offsets = [0, 0], sizes = [320, 64], strides = [1, 1]} : vector<320x128xbf16> to vector<320x64xbf16>
      %slice3A_151 = vector.extract_strided_slice %get3A_148 {offsets = [0, 0], sizes = [320, 64], strides = [1, 1]} : vector<320x128xbf16> to vector<320x64xbf16>
      %dot_general3A_152 = arith.constant dense<0.000000e+00> : vector<256x320xf32>
      %dot_general3A_153 = tpu.matmul %slice3A_149, %slice3A_150, %dot_general3A_152 {dimension_numbers = #tpu.dot_dimension_numbers<[1], [1], [0], [0], [0, 0, 1, 0], [], []>, transpose_lhs_hint = false} : vector<256x64xbf16>, vector<320x64xbf16>, vector<256x320xf32> -> vector<256x320xf32>
      %exp3A_154 = math.exp %dot_general3A_153 : vector<256x320xf32>
      %jit3A_155 = arith.constant 0.000000e+00 : f32
      %broadcast_in_dim3A_156 = vector.broadcast %jit3A_155 : f32 to vector<256x320xf32>
      %select_n3A_157 = arith.select %and3A, %exp3A_154, %broadcast_in_dim3A_156 : vector<256x320xi1>, vector<256x320xf32>
      %convert_element_type3A_158 = arith.truncf %select_n3A_157 : vector<256x320xf32> to vector<256x320xbf16>
      %broadcast_in_dim3A_159 = arith.constant 1.000000e+00 : bf16
      %broadcast_in_dim3A_160 = vector.broadcast %broadcast_in_dim3A_159 : bf16 to vector<320x1xbf16>
      %concatenate3A_161 = tpu.concatenate %slice3A_151, %broadcast_in_dim3A_160 in 1 : vector<320x64xbf16>, vector<320x1xbf16> -> vector<320x65xbf16>
      %dot_general3A_162 = arith.constant dense<0.000000e+00> : vector<256x65xf32>
      %dot_general3A_163 = tpu.matmul %convert_element_type3A_158, %concatenate3A_161, %dot_general3A_162 {dimension_numbers = #tpu.dot_dimension_numbers<[1], [0], [0], [1], [0, 0, 1, 1], [], []>, transpose_lhs_hint = false} : vector<256x320xbf16>, vector<320x65xbf16>, vector<256x65xf32> -> vector<256x65xf32>
      %slice3A_164 = vector.extract_strided_slice %dot_general3A_163 {offsets = [0, 64], sizes = [256, 1], strides = [1, 1]} : vector<256x65xf32> to vector<256x1xf32>
      %div3A_165 = arith.constant 1.000000e+00 : f32
      %div3A_166 = vector.broadcast %div3A_165 : f32 to vector<256x1xf32>
      %div3A_167 = arith.divf %div3A_166, %slice3A_164 : vector<256x1xf32>
      %slice3A_168 = vector.extract_strided_slice %dot_general3A_163 {offsets = [0, 0], sizes = [256, 64], strides = [1, 1]} : vector<256x65xf32> to vector<256x64xf32>
      %mul3A_169 = vector.broadcast %div3A_167 : vector<256x1xf32> to vector<256x64xf32>
      %mul3A_170 = arith.mulf %slice3A_168, %mul3A_169 : vector<256x64xf32>
      %swap3A_171 = arith.constant 0 : index
      %swap3A_172 = arith.constant 256 : index
      %swap3A_173 = vector.load %arg9[%swap3A_171, %swap3A_172] : memref<256x1024xf32, #tpu.memory_space<vmem>>, vector<256x64xf32>
      tpu.vector_store %arg9[%swap3A_171, %swap3A_172], %mul3A_170 {strides = array<i32>} : memref<256x1024xf32, #tpu.memory_space<vmem>>, vector<256x64xf32>,
      %slice3A_174 = vector.extract_strided_slice %get3A_142 {offsets = [0, 64], sizes = [256, 64], strides = [1, 1]} : vector<256x128xbf16> to vector<256x64xbf16>
      %slice3A_175 = vector.extract_strided_slice %get3A_145 {offsets = [0, 64], sizes = [320, 64], strides = [1, 1]} : vector<320x128xbf16> to vector<320x64xbf16>
      %slice3A_176 = vector.extract_strided_slice %get3A_148 {offsets = [0, 64], sizes = [320, 64], strides = [1, 1]} : vector<320x128xbf16> to vector<320x64xbf16>
      %dot_general3A_177 = arith.constant dense<0.000000e+00> : vector<256x320xf32>
      %dot_general3A_178 = tpu.matmul %slice3A_174, %slice3A_175, %dot_general3A_177 {dimension_numbers = #tpu.dot_dimension_numbers<[1], [1], [0], [0], [0, 0, 1, 0], [], []>, transpose_lhs_hint = false} : vector<256x64xbf16>, vector<320x64xbf16>, vector<256x320xf32> -> vector<256x320xf32>
      %exp3A_179 = math.exp %dot_general3A_178 : vector<256x320xf32>
      %jit3A_180 = arith.constant 0.000000e+00 : f32
      %broadcast_in_dim3A_181 = vector.broadcast %jit3A_180 : f32 to vector<256x320xf32>
      %select_n3A_182 = arith.select %and3A, %exp3A_179, %broadcast_in_dim3A_181 : vector<256x320xi1>, vector<256x320xf32>
      %convert_element_type3A_183 = arith.truncf %select_n3A_182 : vector<256x320xf32> to vector<256x320xbf16>
      %broadcast_in_dim3A_184 = arith.constant 1.000000e+00 : bf16
      %broadcast_in_dim3A_185 = vector.broadcast %broadcast_in_dim3A_184 : bf16 to vector<320x1xbf16>
      %concatenate3A_186 = tpu.concatenate %slice3A_176, %broadcast_in_dim3A_185 in 1 : vector<320x64xbf16>, vector<320x1xbf16> -> vector<320x65xbf16>
      %dot_general3A_187 = arith.constant dense<0.000000e+00> : vector<256x65xf32>
      %dot_general3A_188 = tpu.matmul %convert_element_type3A_183, %concatenate3A_186, %dot_general3A_187 {dimension_numbers = #tpu.dot_dimension_numbers<[1], [0], [0], [1], [0, 0, 1, 1], [], []>, transpose_lhs_hint = false} : vector<256x320xbf16>, vector<320x65xbf16>, vector<256x65xf32> -> vector<256x65xf32>
      %slice3A_189 = vector.extract_strided_slice %dot_general3A_188 {offsets = [0, 64], sizes = [256, 1], strides = [1, 1]} : vector<256x65xf32> to vector<256x1xf32>
      %div3A_190 = arith.constant 1.000000e+00 : f32
      %div3A_191 = vector.broadcast %div3A_190 : f32 to vector<256x1xf32>
      %div3A_192 = arith.divf %div3A_191, %slice3A_189 : vector<256x1xf32>
      %slice3A_193 = vector.extract_strided_slice %dot_general3A_188 {offsets = [0, 0], sizes = [256, 64], strides = [1, 1]} : vector<256x65xf32> to vector<256x64xf32>
      %mul3A_194 = vector.broadcast %div3A_192 : vector<256x1xf32> to vector<256x64xf32>
      %mul3A_195 = arith.mulf %slice3A_193, %mul3A_194 : vector<256x64xf32>
      %swap3A_196 = arith.constant 0 : index
      %swap3A_197 = arith.constant 320 : index
      %swap3A_198 = vector.load %arg9[%swap3A_196, %swap3A_197] : memref<256x1024xf32, #tpu.memory_space<vmem>>, vector<256x64xf32>
      tpu.vector_store %arg9[%swap3A_196, %swap3A_197], %mul3A_195 {strides = array<i32>} : memref<256x1024xf32, #tpu.memory_space<vmem>>, vector<256x64xf32>,
      %mul3A_199 = arith.constant 256 : i32
      %mul3A_200 = arith.muli %sub3A_6, %mul3A_199 : i32
      %get3A_201 = arith.index_cast %mul3A_200 : i32 to index
      %get3A_202 = arith.constant 384 : index
      %get3A_203 = vector.load %arg8[%get3A_201, %get3A_202] : memref<2048x3072xbf16, #tpu.memory_space<vmem>>, vector<256x128xbf16>
      %get3A_204 = arith.index_cast %multiple_of3A : i32 to index
      %get3A_205 = arith.constant 1408 : index
      %get3A_206 = vector.load %arg8[%get3A_204, %get3A_205] : memref<2048x3072xbf16, #tpu.memory_space<vmem>>, vector<320x128xbf16>
      %get3A_207 = arith.index_cast %multiple_of3A : i32 to index
      %get3A_208 = arith.constant 2432 : index
      %get3A_209 = vector.load %arg8[%get3A_207, %get3A_208] : memref<2048x3072xbf16, #tpu.memory_space<vmem>>, vector<320x128xbf16>
      %slice3A_210 = vector.extract_strided_slice %get3A_203 {offsets = [0, 0], sizes = [256, 64], strides = [1, 1]} : vector<256x128xbf16> to vector<256x64xbf16>
      %slice3A_211 = vector.extract_strided_slice %get3A_206 {offsets = [0, 0], sizes = [320, 64], strides = [1, 1]} : vector<320x128xbf16> to vector<320x64xbf16>
      %slice3A_212 = vector.extract_strided_slice %get3A_209 {offsets = [0, 0], sizes = [320, 64], strides = [1, 1]} : vector<320x128xbf16> to vector<320x64xbf16>
      %dot_general3A_213 = arith.constant dense<0.000000e+00> : vector<256x320xf32>
      %dot_general3A_214 = tpu.matmul %slice3A_210, %slice3A_211, %dot_general3A_213 {dimension_numbers = #tpu.dot_dimension_numbers<[1], [1], [0], [0], [0, 0, 1, 0], [], []>, transpose_lhs_hint = false} : vector<256x64xbf16>, vector<320x64xbf16>, vector<256x320xf32> -> vector<256x320xf32>
      %exp3A_215 = math.exp %dot_general3A_214 : vector<256x320xf32>
      %jit3A_216 = arith.constant 0.000000e+00 : f32
      %broadcast_in_dim3A_217 = vector.broadcast %jit3A_216 : f32 to vector<256x320xf32>
      %select_n3A_218 = arith.select %and3A, %exp3A_215, %broadcast_in_dim3A_217 : vector<256x320xi1>, vector<256x320xf32>
      %convert_element_type3A_219 = arith.truncf %select_n3A_218 : vector<256x320xf32> to vector<256x320xbf16>
      %broadcast_in_dim3A_220 = arith.constant 1.000000e+00 : bf16
      %broadcast_in_dim3A_221 = vector.broadcast %broadcast_in_dim3A_220 : bf16 to vector<320x1xbf16>
      %concatenate3A_222 = tpu.concatenate %slice3A_212, %broadcast_in_dim3A_221 in 1 : vector<320x64xbf16>, vector<320x1xbf16> -> vector<320x65xbf16>
      %dot_general3A_223 = arith.constant dense<0.000000e+00> : vector<256x65xf32>
      %dot_general3A_224 = tpu.matmul %convert_element_type3A_219, %concatenate3A_222, %dot_general3A_223 {dimension_numbers = #tpu.dot_dimension_numbers<[1], [0], [0], [1], [0, 0, 1, 1], [], []>, transpose_lhs_hint = false} : vector<256x320xbf16>, vector<320x65xbf16>, vector<256x65xf32> -> vector<256x65xf32>
      %slice3A_225 = vector.extract_strided_slice %dot_general3A_224 {offsets = [0, 64], sizes = [256, 1], strides = [1, 1]} : vector<256x65xf32> to vector<256x1xf32>
      %div3A_226 = arith.constant 1.000000e+00 : f32
      %div3A_227 = vector.broadcast %div3A_226 : f32 to vector<256x1xf32>
      %div3A_228 = arith.divf %div3A_227, %slice3A_225 : vector<256x1xf32>
      %slice3A_229 = vector.extract_strided_slice %dot_general3A_224 {offsets = [0, 0], sizes = [256, 64], strides = [1, 1]} : vector<256x65xf32> to vector<256x64xf32>
      %mul3A_230 = vector.broadcast %div3A_228 : vector<256x1xf32> to vector<256x64xf32>
      %mul3A_231 = arith.mulf %slice3A_229, %mul3A_230 : vector<256x64xf32>
      %swap3A_232 = arith.constant 0 : index
      %swap3A_233 = arith.constant 384 : index
      %swap3A_234 = vector.load %arg9[%swap3A_232, %swap3A_233] : memref<256x1024xf32, #tpu.memory_space<vmem>>, vector<256x64xf32>
      tpu.vector_store %arg9[%swap3A_232, %swap3A_233], %mul3A_231 {strides = array<i32>} : memref<256x1024xf32, #tpu.memory_space<vmem>>, vector<256x64xf32>,
      %slice3A_235 = vector.extract_strided_slice %get3A_203 {offsets = [0, 64], sizes = [256, 64], strides = [1, 1]} : vector<256x128xbf16> to vector<256x64xbf16>
      %slice3A_236 = vector.extract_strided_slice %get3A_206 {offsets = [0, 64], sizes = [320, 64], strides = [1, 1]} : vector<320x128xbf16> to vector<320x64xbf16>
      %slice3A_237 = vector.extract_strided_slice %get3A_209 {offsets = [0, 64], sizes = [320, 64], strides = [1, 1]} : vector<320x128xbf16> to vector<320x64xbf16>
      %dot_general3A_238 = arith.constant dense<0.000000e+00> : vector<256x320xf32>
      %dot_general3A_239 = tpu.matmul %slice3A_235, %slice3A_236, %dot_general3A_238 {dimension_numbers = #tpu.dot_dimension_numbers<[1], [1], [0], [0], [0, 0, 1, 0], [], []>, transpose_lhs_hint = false} : vector<256x64xbf16>, vector<320x64xbf16>, vector<256x320xf32> -> vector<256x320xf32>
      %exp3A_240 = math.exp %dot_general3A_239 : vector<256x320xf32>
      %jit3A_241 = arith.constant 0.000000e+00 : f32
      %broadcast_in_dim3A_242 = vector.broadcast %jit3A_241 : f32 to vector<256x320xf32>
      %select_n3A_243 = arith.select %and3A, %exp3A_240, %broadcast_in_dim3A_242 : vector<256x320xi1>, vector<256x320xf32>
      %convert_element_type3A_244 = arith.truncf %select_n3A_243 : vector<256x320xf32> to vector<256x320xbf16>
      %broadcast_in_dim3A_245 = arith.constant 1.000000e+00 : bf16
      %broadcast_in_dim3A_246 = vector.broadcast %broadcast_in_dim3A_245 : bf16 to vector<320x1xbf16>
      %concatenate3A_247 = tpu.concatenate %slice3A_237, %broadcast_in_dim3A_246 in 1 : vector<320x64xbf16>, vector<320x1xbf16> -> vector<320x65xbf16>
      %dot_general3A_248 = arith.constant dense<0.000000e+00> : vector<256x65xf32>
      %dot_general3A_249 = tpu.matmul %convert_element_type3A_244, %concatenate3A_247, %dot_general3A_248 {dimension_numbers = #tpu.dot_dimension_numbers<[1], [0], [0], [1], [0, 0, 1, 1], [], []>, transpose_lhs_hint = false} : vector<256x320xbf16>, vector<320x65xbf16>, vector<256x65xf32> -> vector<256x65xf32>
      %slice3A_250 = vector.extract_strided_slice %dot_general3A_249 {offsets = [0, 64], sizes = [256, 1], strides = [1, 1]} : vector<256x65xf32> to vector<256x1xf32>
      %div3A_251 = arith.constant 1.000000e+00 : f32
      %div3A_252 = vector.broadcast %div3A_251 : f32 to vector<256x1xf32>
      %div3A_253 = arith.divf %div3A_252, %slice3A_250 : vector<256x1xf32>
      %slice3A_254 = vector.extract_strided_slice %dot_general3A_249 {offsets = [0, 0], sizes = [256, 64], strides = [1, 1]} : vector<256x65xf32> to vector<256x64xf32>
      %mul3A_255 = vector.broadcast %div3A_253 : vector<256x1xf32> to vector<256x64xf32>
      %mul3A_256 = arith.mulf %slice3A_254, %mul3A_255 : vector<256x64xf32>
      %swap3A_257 = arith.constant 0 : index
      %swap3A_258 = arith.constant 448 : index
      %swap3A_259 = vector.load %arg9[%swap3A_257, %swap3A_258] : memref<256x1024xf32, #tpu.memory_space<vmem>>, vector<256x64xf32>
      tpu.vector_store %arg9[%swap3A_257, %swap3A_258], %mul3A_256 {strides = array<i32>} : memref<256x1024xf32, #tpu.memory_space<vmem>>, vector<256x64xf32>,
      %mul3A_260 = arith.constant 256 : i32
      %mul3A_261 = arith.muli %sub3A_6, %mul3A_260 : i32
      %get3A_262 = arith.index_cast %mul3A_261 : i32 to index
      %get3A_263 = arith.constant 512 : index
      %get3A_264 = vector.load %arg8[%get3A_262, %get3A_263] : memref<2048x3072xbf16, #tpu.memory_space<vmem>>, vector<256x128xbf16>
      %get3A_265 = arith.index_cast %multiple_of3A : i32 to index
      %get3A_266 = arith.constant 1536 : index
      %get3A_267 = vector.load %arg8[%get3A_265, %get3A_266] : memref<2048x3072xbf16, #tpu.memory_space<vmem>>, vector<320x128xbf16>
      %get3A_268 = arith.index_cast %multiple_of3A : i32 to index
      %get3A_269 = arith.constant 2560 : index
      %get3A_270 = vector.load %arg8[%get3A_268, %get3A_269] : memref<2048x3072xbf16, #tpu.memory_space<vmem>>, vector<320x128xbf16>
      %slice3A_271 = vector.extract_strided_slice %get3A_264 {offsets = [0, 0], sizes = [256, 64], strides = [1, 1]} : vector<256x128xbf16> to vector<256x64xbf16>
      %slice3A_272 = vector.extract_strided_slice %get3A_267 {offsets = [0, 0], sizes = [320, 64], strides = [1, 1]} : vector<320x128xbf16> to vector<320x64xbf16>
      %slice3A_273 = vector.extract_strided_slice %get3A_270 {offsets = [0, 0], sizes = [320, 64], strides = [1, 1]} : vector<320x128xbf16> to vector<320x64xbf16>
      %dot_general3A_274 = arith.constant dense<0.000000e+00> : vector<256x320xf32>
      %dot_general3A_275 = tpu.matmul %slice3A_271, %slice3A_272, %dot_general3A_274 {dimension_numbers = #tpu.dot_dimension_numbers<[1], [1], [0], [0], [0, 0, 1, 0], [], []>, transpose_lhs_hint = false} : vector<256x64xbf16>, vector<320x64xbf16>, vector<256x320xf32> -> vector<256x320xf32>
      %exp3A_276 = math.exp %dot_general3A_275 : vector<256x320xf32>
      %jit3A_277 = arith.constant 0.000000e+00 : f32
      %broadcast_in_dim3A_278 = vector.broadcast %jit3A_277 : f32 to vector<256x320xf32>
      %select_n3A_279 = arith.select %and3A, %exp3A_276, %broadcast_in_dim3A_278 : vector<256x320xi1>, vector<256x320xf32>
      %convert_element_type3A_280 = arith.truncf %select_n3A_279 : vector<256x320xf32> to vector<256x320xbf16>
      %broadcast_in_dim3A_281 = arith.constant 1.000000e+00 : bf16
      %broadcast_in_dim3A_282 = vector.broadcast %broadcast_in_dim3A_281 : bf16 to vector<320x1xbf16>
      %concatenate3A_283 = tpu.concatenate %slice3A_273, %broadcast_in_dim3A_282 in 1 : vector<320x64xbf16>, vector<320x1xbf16> -> vector<320x65xbf16>
      %dot_general3A_284 = arith.constant dense<0.000000e+00> : vector<256x65xf32>
      %dot_general3A_285 = tpu.matmul %convert_element_type3A_280, %concatenate3A_283, %dot_general3A_284 {dimension_numbers = #tpu.dot_dimension_numbers<[1], [0], [0], [1], [0, 0, 1, 1], [], []>, transpose_lhs_hint = false} : vector<256x320xbf16>, vector<320x65xbf16>, vector<256x65xf32> -> vector<256x65xf32>
      %slice3A_286 = vector.extract_strided_slice %dot_general3A_285 {offsets = [0, 64], sizes = [256, 1], strides = [1, 1]} : vector<256x65xf32> to vector<256x1xf32>
      %div3A_287 = arith.constant 1.000000e+00 : f32
      %div3A_288 = vector.broadcast %div3A_287 : f32 to vector<256x1xf32>
      %div3A_289 = arith.divf %div3A_288, %slice3A_286 : vector<256x1xf32>
      %slice3A_290 = vector.extract_strided_slice %dot_general3A_285 {offsets = [0, 0], sizes = [256, 64], strides = [1, 1]} : vector<256x65xf32> to vector<256x64xf32>
      %mul3A_291 = vector.broadcast %div3A_289 : vector<256x1xf32> to vector<256x64xf32>
      %mul3A_292 = arith.mulf %slice3A_290, %mul3A_291 : vector<256x64xf32>
      %swap3A_293 = arith.constant 0 : index
      %swap3A_294 = arith.constant 512 : index
      %swap3A_295 = vector.load %arg9[%swap3A_293, %swap3A_294] : memref<256x1024xf32, #tpu.memory_space<vmem>>, vector<256x64xf32>
      tpu.vector_store %arg9[%swap3A_293, %swap3A_294], %mul3A_292 {strides = array<i32>} : memref<256x1024xf32, #tpu.memory_space<vmem>>, vector<256x64xf32>,
      %slice3A_296 = vector.extract_strided_slice %get3A_264 {offsets = [0, 64], sizes = [256, 64], strides = [1, 1]} : vector<256x128xbf16> to vector<256x64xbf16>
      %slice3A_297 = vector.extract_strided_slice %get3A_267 {offsets = [0, 64], sizes = [320, 64], strides = [1, 1]} : vector<320x128xbf16> to vector<320x64xbf16>
      %slice3A_298 = vector.extract_strided_slice %get3A_270 {offsets = [0, 64], sizes = [320, 64], strides = [1, 1]} : vector<320x128xbf16> to vector<320x64xbf16>
      %dot_general3A_299 = arith.constant dense<0.000000e+00> : vector<256x320xf32>
      %dot_general3A_300 = tpu.matmul %slice3A_296, %slice3A_297, %dot_general3A_299 {dimension_numbers = #tpu.dot_dimension_numbers<[1], [1], [0], [0], [0, 0, 1, 0], [], []>, transpose_lhs_hint = false} : vector<256x64xbf16>, vector<320x64xbf16>, vector<256x320xf32> -> vector<256x320xf32>
      %exp3A_301 = math.exp %dot_general3A_300 : vector<256x320xf32>
      %jit3A_302 = arith.constant 0.000000e+00 : f32
      %broadcast_in_dim3A_303 = vector.broadcast %jit3A_302 : f32 to vector<256x320xf32>
      %select_n3A_304 = arith.select %and3A, %exp3A_301, %broadcast_in_dim3A_303 : vector<256x320xi1>, vector<256x320xf32>
      %convert_element_type3A_305 = arith.truncf %select_n3A_304 : vector<256x320xf32> to vector<256x320xbf16>
      %broadcast_in_dim3A_306 = arith.constant 1.000000e+00 : bf16
      %broadcast_in_dim3A_307 = vector.broadcast %broadcast_in_dim3A_306 : bf16 to vector<320x1xbf16>
      %concatenate3A_308 = tpu.concatenate %slice3A_298, %broadcast_in_dim3A_307 in 1 : vector<320x64xbf16>, vector<320x1xbf16> -> vector<320x65xbf16>
      %dot_general3A_309 = arith.constant dense<0.000000e+00> : vector<256x65xf32>
      %dot_general3A_310 = tpu.matmul %convert_element_type3A_305, %concatenate3A_308, %dot_general3A_309 {dimension_numbers = #tpu.dot_dimension_numbers<[1], [0], [0], [1], [0, 0, 1, 1], [], []>, transpose_lhs_hint = false} : vector<256x320xbf16>, vector<320x65xbf16>, vector<256x65xf32> -> vector<256x65xf32>
      %slice3A_311 = vector.extract_strided_slice %dot_general3A_310 {offsets = [0, 64], sizes = [256, 1], strides = [1, 1]} : vector<256x65xf32> to vector<256x1xf32>
      %div3A_312 = arith.constant 1.000000e+00 : f32
      %div3A_313 = vector.broadcast %div3A_312 : f32 to vector<256x1xf32>
      %div3A_314 = arith.divf %div3A_313, %slice3A_311 : vector<256x1xf32>
      %slice3A_315 = vector.extract_strided_slice %dot_general3A_310 {offsets = [0, 0], sizes = [256, 64], strides = [1, 1]} : vector<256x65xf32> to vector<256x64xf32>
      %mul3A_316 = vector.broadcast %div3A_314 : vector<256x1xf32> to vector<256x64xf32>
      %mul3A_317 = arith.mulf %slice3A_315, %mul3A_316 : vector<256x64xf32>
      %swap3A_318 = arith.constant 0 : index
      %swap3A_319 = arith.constant 576 : index
      %swap3A_320 = vector.load %arg9[%swap3A_318, %swap3A_319] : memref<256x1024xf32, #tpu.memory_space<vmem>>, vector<256x64xf32>
      tpu.vector_store %arg9[%swap3A_318, %swap3A_319], %mul3A_317 {strides = array<i32>} : memref<256x1024xf32, #tpu.memory_space<vmem>>, vector<256x64xf32>,
      %mul3A_321 = arith.constant 256 : i32
      %mul3A_322 = arith.muli %sub3A_6, %mul3A_321 : i32
      %get3A_323 = arith.index_cast %mul3A_322 : i32 to index
      %get3A_324 = arith.constant 640 : index
      %get3A_325 = vector.load %arg8[%get3A_323, %get3A_324] : memref<2048x3072xbf16, #tpu.memory_space<vmem>>, vector<256x128xbf16>
      %get3A_326 = arith.index_cast %multiple_of3A : i32 to index
      %get3A_327 = arith.constant 1664 : index
      %get3A_328 = vector.load %arg8[%get3A_326, %get3A_327] : memref<2048x3072xbf16, #tpu.memory_space<vmem>>, vector<320x128xbf16>
      %get3A_329 = arith.index_cast %multiple_of3A : i32 to index
      %get3A_330 = arith.constant 2688 : index
      %get3A_331 = vector.load %arg8[%get3A_329, %get3A_330] : memref<2048x3072xbf16, #tpu.memory_space<vmem>>, vector<320x128xbf16>
      %slice3A_332 = vector.extract_strided_slice %get3A_325 {offsets = [0, 0], sizes = [256, 64], strides = [1, 1]} : vector<256x128xbf16> to vector<256x64xbf16>
      %slice3A_333 = vector.extract_strided_slice %get3A_328 {offsets = [0, 0], sizes = [320, 64], strides = [1, 1]} : vector<320x128xbf16> to vector<320x64xbf16>
      %slice3A_334 = vector.extract_strided_slice %get3A_331 {offsets = [0, 0], sizes = [320, 64], strides = [1, 1]} : vector<320x128xbf16> to vector<320x64xbf16>
      %dot_general3A_335 = arith.constant dense<0.000000e+00> : vector<256x320xf32>
      %dot_general3A_336 = tpu.matmul %slice3A_332, %slice3A_333, %dot_general3A_335 {dimension_numbers = #tpu.dot_dimension_numbers<[1], [1], [0], [0], [0, 0, 1, 0], [], []>, transpose_lhs_hint = false} : vector<256x64xbf16>, vector<320x64xbf16>, vector<256x320xf32> -> vector<256x320xf32>
      %exp3A_337 = math.exp %dot_general3A_336 : vector<256x320xf32>
      %jit3A_338 = arith.constant 0.000000e+00 : f32
      %broadcast_in_dim3A_339 = vector.broadcast %jit3A_338 : f32 to vector<256x320xf32>
      %select_n3A_340 = arith.select %and3A, %exp3A_337, %broadcast_in_dim3A_339 : vector<256x320xi1>, vector<256x320xf32>
      %convert_element_type3A_341 = arith.truncf %select_n3A_340 : vector<256x320xf32> to vector<256x320xbf16>
      %broadcast_in_dim3A_342 = arith.constant 1.000000e+00 : bf16
      %broadcast_in_dim3A_343 = vector.broadcast %broadcast_in_dim3A_342 : bf16 to vector<320x1xbf16>
      %concatenate3A_344 = tpu.concatenate %slice3A_334, %broadcast_in_dim3A_343 in 1 : vector<320x64xbf16>, vector<320x1xbf16> -> vector<320x65xbf16>
      %dot_general3A_345 = arith.constant dense<0.000000e+00> : vector<256x65xf32>
      %dot_general3A_346 = tpu.matmul %convert_element_type3A_341, %concatenate3A_344, %dot_general3A_345 {dimension_numbers = #tpu.dot_dimension_numbers<[1], [0], [0], [1], [0, 0, 1, 1], [], []>, transpose_lhs_hint = false} : vector<256x320xbf16>, vector<320x65xbf16>, vector<256x65xf32> -> vector<256x65xf32>
      %slice3A_347 = vector.extract_strided_slice %dot_general3A_346 {offsets = [0, 64], sizes = [256, 1], strides = [1, 1]} : vector<256x65xf32> to vector<256x1xf32>
      %div3A_348 = arith.constant 1.000000e+00 : f32
      %div3A_349 = vector.broadcast %div3A_348 : f32 to vector<256x1xf32>
      %div3A_350 = arith.divf %div3A_349, %slice3A_347 : vector<256x1xf32>
      %slice3A_351 = vector.extract_strided_slice %dot_general3A_346 {offsets = [0, 0], sizes = [256, 64], strides = [1, 1]} : vector<256x65xf32> to vector<256x64xf32>
      %mul3A_352 = vector.broadcast %div3A_350 : vector<256x1xf32> to vector<256x64xf32>
      %mul3A_353 = arith.mulf %slice3A_351, %mul3A_352 : vector<256x64xf32>
      %swap3A_354 = arith.constant 0 : index
      %swap3A_355 = arith.constant 640 : index
      %swap3A_356 = vector.load %arg9[%swap3A_354, %swap3A_355] : memref<256x1024xf32, #tpu.memory_space<vmem>>, vector<256x64xf32>
      tpu.vector_store %arg9[%swap3A_354, %swap3A_355], %mul3A_353 {strides = array<i32>} : memref<256x1024xf32, #tpu.memory_space<vmem>>, vector<256x64xf32>,
      %slice3A_357 = vector.extract_strided_slice %get3A_325 {offsets = [0, 64], sizes = [256, 64], strides = [1, 1]} : vector<256x128xbf16> to vector<256x64xbf16>
      %slice3A_358 = vector.extract_strided_slice %get3A_328 {offsets = [0, 64], sizes = [320, 64], strides = [1, 1]} : vector<320x128xbf16> to vector<320x64xbf16>
      %slice3A_359 = vector.extract_strided_slice %get3A_331 {offsets = [0, 64], sizes = [320, 64], strides = [1, 1]} : vector<320x128xbf16> to vector<320x64xbf16>
      %dot_general3A_360 = arith.constant dense<0.000000e+00> : vector<256x320xf32>
      %dot_general3A_361 = tpu.matmul %slice3A_357, %slice3A_358, %dot_general3A_360 {dimension_numbers = #tpu.dot_dimension_numbers<[1], [1], [0], [0], [0, 0, 1, 0], [], []>, transpose_lhs_hint = false} : vector<256x64xbf16>, vector<320x64xbf16>, vector<256x320xf32> -> vector<256x320xf32>
      %exp3A_362 = math.exp %dot_general3A_361 : vector<256x320xf32>
      %jit3A_363 = arith.constant 0.000000e+00 : f32
      %broadcast_in_dim3A_364 = vector.broadcast %jit3A_363 : f32 to vector<256x320xf32>
      %select_n3A_365 = arith.select %and3A, %exp3A_362, %broadcast_in_dim3A_364 : vector<256x320xi1>, vector<256x320xf32>
      %convert_element_type3A_366 = arith.truncf %select_n3A_365 : vector<256x320xf32> to vector<256x320xbf16>
      %broadcast_in_dim3A_367 = arith.constant 1.000000e+00 : bf16
      %broadcast_in_dim3A_368 = vector.broadcast %broadcast_in_dim3A_367 : bf16 to vector<320x1xbf16>
      %concatenate3A_369 = tpu.concatenate %slice3A_359, %broadcast_in_dim3A_368 in 1 : vector<320x64xbf16>, vector<320x1xbf16> -> vector<320x65xbf16>
      %dot_general3A_370 = arith.constant dense<0.000000e+00> : vector<256x65xf32>
      %dot_general3A_371 = tpu.matmul %convert_element_type3A_366, %concatenate3A_369, %dot_general3A_370 {dimension_numbers = #tpu.dot_dimension_numbers<[1], [0], [0], [1], [0, 0, 1, 1], [], []>, transpose_lhs_hint = false} : vector<256x320xbf16>, vector<320x65xbf16>, vector<256x65xf32> -> vector<256x65xf32>
      %slice3A_372 = vector.extract_strided_slice %dot_general3A_371 {offsets = [0, 64], sizes = [256, 1], strides = [1, 1]} : vector<256x65xf32> to vector<256x1xf32>
      %div3A_373 = arith.constant 1.000000e+00 : f32
      %div3A_374 = vector.broadcast %div3A_373 : f32 to vector<256x1xf32>
      %div3A_375 = arith.divf %div3A_374, %slice3A_372 : vector<256x1xf32>
      %slice3A_376 = vector.extract_strided_slice %dot_general3A_371 {offsets = [0, 0], sizes = [256, 64], strides = [1, 1]} : vector<256x65xf32> to vector<256x64xf32>
      %mul3A_377 = vector.broadcast %div3A_375 : vector<256x1xf32> to vector<256x64xf32>
      %mul3A_378 = arith.mulf %slice3A_376, %mul3A_377 : vector<256x64xf32>
      %swap3A_379 = arith.constant 0 : index
      %swap3A_380 = arith.constant 704 : index
      %swap3A_381 = vector.load %arg9[%swap3A_379, %swap3A_380] : memref<256x1024xf32, #tpu.memory_space<vmem>>, vector<256x64xf32>
      tpu.vector_store %arg9[%swap3A_379, %swap3A_380], %mul3A_378 {strides = array<i32>} : memref<256x1024xf32, #tpu.memory_space<vmem>>, vector<256x64xf32>,
      %mul3A_382 = arith.constant 256 : i32
      %mul3A_383 = arith.muli %sub3A_6, %mul3A_382 : i32
      %get3A_384 = arith.index_cast %mul3A_383 : i32 to index
      %get3A_385 = arith.constant 768 : index
      %get3A_386 = vector.load %arg8[%get3A_384, %get3A_385] : memref<2048x3072xbf16, #tpu.memory_space<vmem>>, vector<256x128xbf16>
      %get3A_387 = arith.index_cast %multiple_of3A : i32 to index
      %get3A_388 = arith.constant 1792 : index
      %get3A_389 = vector.load %arg8[%get3A_387, %get3A_388] : memref<2048x3072xbf16, #tpu.memory_space<vmem>>, vector<320x128xbf16>
      %get3A_390 = arith.index_cast %multiple_of3A : i32 to index
      %get3A_391 = arith.constant 2816 : index
      %get3A_392 = vector.load %arg8[%get3A_390, %get3A_391] : memref<2048x3072xbf16, #tpu.memory_space<vmem>>, vector<320x128xbf16>
      %slice3A_393 = vector.extract_strided_slice %get3A_386 {offsets = [0, 0], sizes = [256, 64], strides = [1, 1]} : vector<256x128xbf16> to vector<256x64xbf16>
      %slice3A_394 = vector.extract_strided_slice %get3A_389 {offsets = [0, 0], sizes = [320, 64], strides = [1, 1]} : vector<320x128xbf16> to vector<320x64xbf16>
      %slice3A_395 = vector.extract_strided_slice %get3A_392 {offsets = [0, 0], sizes = [320, 64], strides = [1, 1]} : vector<320x128xbf16> to vector<320x64xbf16>
      %dot_general3A_396 = arith.constant dense<0.000000e+00> : vector<256x320xf32>
      %dot_general3A_397 = tpu.matmul %slice3A_393, %slice3A_394, %dot_general3A_396 {dimension_numbers = #tpu.dot_dimension_numbers<[1], [1], [0], [0], [0, 0, 1, 0], [], []>, transpose_lhs_hint = false} : vector<256x64xbf16>, vector<320x64xbf16>, vector<256x320xf32> -> vector<256x320xf32>
      %exp3A_398 = math.exp %dot_general3A_397 : vector<256x320xf32>
      %jit3A_399 = arith.constant 0.000000e+00 : f32
      %broadcast_in_dim3A_400 = vector.broadcast %jit3A_399 : f32 to vector<256x320xf32>
      %select_n3A_401 = arith.select %and3A, %exp3A_398, %broadcast_in_dim3A_400 : vector<256x320xi1>, vector<256x320xf32>
      %convert_element_type3A_402 = arith.truncf %select_n3A_401 : vector<256x320xf32> to vector<256x320xbf16>
      %broadcast_in_dim3A_403 = arith.constant 1.000000e+00 : bf16
      %broadcast_in_dim3A_404 = vector.broadcast %broadcast_in_dim3A_403 : bf16 to vector<320x1xbf16>
      %concatenate3A_405 = tpu.concatenate %slice3A_395, %broadcast_in_dim3A_404 in 1 : vector<320x64xbf16>, vector<320x1xbf16> -> vector<320x65xbf16>
      %dot_general3A_406 = arith.constant dense<0.000000e+00> : vector<256x65xf32>
      %dot_general3A_407 = tpu.matmul %convert_element_type3A_402, %concatenate3A_405, %dot_general3A_406 {dimension_numbers = #tpu.dot_dimension_numbers<[1], [0], [0], [1], [0, 0, 1, 1], [], []>, transpose_lhs_hint = false} : vector<256x320xbf16>, vector<320x65xbf16>, vector<256x65xf32> -> vector<256x65xf32>
      %slice3A_408 = vector.extract_strided_slice %dot_general3A_407 {offsets = [0, 64], sizes = [256, 1], strides = [1, 1]} : vector<256x65xf32> to vector<256x1xf32>
      %div3A_409 = arith.constant 1.000000e+00 : f32
      %div3A_410 = vector.broadcast %div3A_409 : f32 to vector<256x1xf32>
      %div3A_411 = arith.divf %div3A_410, %slice3A_408 : vector<256x1xf32>
      %slice3A_412 = vector.extract_strided_slice %dot_general3A_407 {offsets = [0, 0], sizes = [256, 64], strides = [1, 1]} : vector<256x65xf32> to vector<256x64xf32>
      %mul3A_413 = vector.broadcast %div3A_411 : vector<256x1xf32> to vector<256x64xf32>
      %mul3A_414 = arith.mulf %slice3A_412, %mul3A_413 : vector<256x64xf32>
      %swap3A_415 = arith.constant 0 : index
      %swap3A_416 = arith.constant 768 : index
      %swap3A_417 = vector.load %arg9[%swap3A_415, %swap3A_416] : memref<256x1024xf32, #tpu.memory_space<vmem>>, vector<256x64xf32>
      tpu.vector_store %arg9[%swap3A_415, %swap3A_416], %mul3A_414 {strides = array<i32>} : memref<256x1024xf32, #tpu.memory_space<vmem>>, vector<256x64xf32>,
      %slice3A_418 = vector.extract_strided_slice %get3A_386 {offsets = [0, 64], sizes = [256, 64], strides = [1, 1]} : vector<256x128xbf16> to vector<256x64xbf16>
      %slice3A_419 = vector.extract_strided_slice %get3A_389 {offsets = [0, 64], sizes = [320, 64], strides = [1, 1]} : vector<320x128xbf16> to vector<320x64xbf16>
      %slice3A_420 = vector.extract_strided_slice %get3A_392 {offsets = [0, 64], sizes = [320, 64], strides = [1, 1]} : vector<320x128xbf16> to vector<320x64xbf16>
      %dot_general3A_421 = arith.constant dense<0.000000e+00> : vector<256x320xf32>
      %dot_general3A_422 = tpu.matmul %slice3A_418, %slice3A_419, %dot_general3A_421 {dimension_numbers = #tpu.dot_dimension_numbers<[1], [1], [0], [0], [0, 0, 1, 0], [], []>, transpose_lhs_hint = false} : vector<256x64xbf16>, vector<320x64xbf16>, vector<256x320xf32> -> vector<256x320xf32>
      %exp3A_423 = math.exp %dot_general3A_422 : vector<256x320xf32>
      %jit3A_424 = arith.constant 0.000000e+00 : f32
      %broadcast_in_dim3A_425 = vector.broadcast %jit3A_424 : f32 to vector<256x320xf32>
      %select_n3A_426 = arith.select %and3A, %exp3A_423, %broadcast_in_dim3A_425 : vector<256x320xi1>, vector<256x320xf32>
      %convert_element_type3A_427 = arith.truncf %select_n3A_426 : vector<256x320xf32> to vector<256x320xbf16>
      %broadcast_in_dim3A_428 = arith.constant 1.000000e+00 : bf16
      %broadcast_in_dim3A_429 = vector.broadcast %broadcast_in_dim3A_428 : bf16 to vector<320x1xbf16>
      %concatenate3A_430 = tpu.concatenate %slice3A_420, %broadcast_in_dim3A_429 in 1 : vector<320x64xbf16>, vector<320x1xbf16> -> vector<320x65xbf16>
      %dot_general3A_431 = arith.constant dense<0.000000e+00> : vector<256x65xf32>
      %dot_general3A_432 = tpu.matmul %convert_element_type3A_427, %concatenate3A_430, %dot_general3A_431 {dimension_numbers = #tpu.dot_dimension_numbers<[1], [0], [0], [1], [0, 0, 1, 1], [], []>, transpose_lhs_hint = false} : vector<256x320xbf16>, vector<320x65xbf16>, vector<256x65xf32> -> vector<256x65xf32>
      %slice3A_433 = vector.extract_strided_slice %dot_general3A_432 {offsets = [0, 64], sizes = [256, 1], strides = [1, 1]} : vector<256x65xf32> to vector<256x1xf32>
      %div3A_434 = arith.constant 1.000000e+00 : f32
      %div3A_435 = vector.broadcast %div3A_434 : f32 to vector<256x1xf32>
      %div3A_436 = arith.divf %div3A_435, %slice3A_433 : vector<256x1xf32>
      %slice3A_437 = vector.extract_strided_slice %dot_general3A_432 {offsets = [0, 0], sizes = [256, 64], strides = [1, 1]} : vector<256x65xf32> to vector<256x64xf32>
      %mul3A_438 = vector.broadcast %div3A_436 : vector<256x1xf32> to vector<256x64xf32>
      %mul3A_439 = arith.mulf %slice3A_437, %mul3A_438 : vector<256x64xf32>
      %swap3A_440 = arith.constant 0 : index
      %swap3A_441 = arith.constant 832 : index
      %swap3A_442 = vector.load %arg9[%swap3A_440, %swap3A_441] : memref<256x1024xf32, #tpu.memory_space<vmem>>, vector<256x64xf32>
      tpu.vector_store %arg9[%swap3A_440, %swap3A_441], %mul3A_439 {strides = array<i32>} : memref<256x1024xf32, #tpu.memory_space<vmem>>, vector<256x64xf32>,
      %mul3A_443 = arith.constant 256 : i32
      %mul3A_444 = arith.muli %sub3A_6, %mul3A_443 : i32
      %get3A_445 = arith.index_cast %mul3A_444 : i32 to index
      %get3A_446 = arith.constant 896 : index
      %get3A_447 = vector.load %arg8[%get3A_445, %get3A_446] : memref<2048x3072xbf16, #tpu.memory_space<vmem>>, vector<256x128xbf16>
      %get3A_448 = arith.index_cast %multiple_of3A : i32 to index
      %get3A_449 = arith.constant 1920 : index
      %get3A_450 = vector.load %arg8[%get3A_448, %get3A_449] : memref<2048x3072xbf16, #tpu.memory_space<vmem>>, vector<320x128xbf16>
      %get3A_451 = arith.index_cast %multiple_of3A : i32 to index
      %get3A_452 = arith.constant 2944 : index
      %get3A_453 = vector.load %arg8[%get3A_451, %get3A_452] : memref<2048x3072xbf16, #tpu.memory_space<vmem>>, vector<320x128xbf16>
      %slice3A_454 = vector.extract_strided_slice %get3A_447 {offsets = [0, 0], sizes = [256, 64], strides = [1, 1]} : vector<256x128xbf16> to vector<256x64xbf16>
      %slice3A_455 = vector.extract_strided_slice %get3A_450 {offsets = [0, 0], sizes = [320, 64], strides = [1, 1]} : vector<320x128xbf16> to vector<320x64xbf16>
      %slice3A_456 = vector.extract_strided_slice %get3A_453 {offsets = [0, 0], sizes = [320, 64], strides = [1, 1]} : vector<320x128xbf16> to vector<320x64xbf16>
      %dot_general3A_457 = arith.constant dense<0.000000e+00> : vector<256x320xf32>
      %dot_general3A_458 = tpu.matmul %slice3A_454, %slice3A_455, %dot_general3A_457 {dimension_numbers = #tpu.dot_dimension_numbers<[1], [1], [0], [0], [0, 0, 1, 0], [], []>, transpose_lhs_hint = false} : vector<256x64xbf16>, vector<320x64xbf16>, vector<256x320xf32> -> vector<256x320xf32>
      %exp3A_459 = math.exp %dot_general3A_458 : vector<256x320xf32>
      %jit3A_460 = arith.constant 0.000000e+00 : f32
      %broadcast_in_dim3A_461 = vector.broadcast %jit3A_460 : f32 to vector<256x320xf32>
      %select_n3A_462 = arith.select %and3A, %exp3A_459, %broadcast_in_dim3A_461 : vector<256x320xi1>, vector<256x320xf32>
      %convert_element_type3A_463 = arith.truncf %select_n3A_462 : vector<256x320xf32> to vector<256x320xbf16>
      %broadcast_in_dim3A_464 = arith.constant 1.000000e+00 : bf16
      %broadcast_in_dim3A_465 = vector.broadcast %broadcast_in_dim3A_464 : bf16 to vector<320x1xbf16>
      %concatenate3A_466 = tpu.concatenate %slice3A_456, %broadcast_in_dim3A_465 in 1 : vector<320x64xbf16>, vector<320x1xbf16> -> vector<320x65xbf16>
      %dot_general3A_467 = arith.constant dense<0.000000e+00> : vector<256x65xf32>
      %dot_general3A_468 = tpu.matmul %convert_element_type3A_463, %concatenate3A_466, %dot_general3A_467 {dimension_numbers = #tpu.dot_dimension_numbers<[1], [0], [0], [1], [0, 0, 1, 1], [], []>, transpose_lhs_hint = false} : vector<256x320xbf16>, vector<320x65xbf16>, vector<256x65xf32> -> vector<256x65xf32>
      %slice3A_469 = vector.extract_strided_slice %dot_general3A_468 {offsets = [0, 64], sizes = [256, 1], strides = [1, 1]} : vector<256x65xf32> to vector<256x1xf32>
      %div3A_470 = arith.constant 1.000000e+00 : f32
      %div3A_471 = vector.broadcast %div3A_470 : f32 to vector<256x1xf32>
      %div3A_472 = arith.divf %div3A_471, %slice3A_469 : vector<256x1xf32>
      %slice3A_473 = vector.extract_strided_slice %dot_general3A_468 {offsets = [0, 0], sizes = [256, 64], strides = [1, 1]} : vector<256x65xf32> to vector<256x64xf32>
      %mul3A_474 = vector.broadcast %div3A_472 : vector<256x1xf32> to vector<256x64xf32>
      %mul3A_475 = arith.mulf %slice3A_473, %mul3A_474 : vector<256x64xf32>
      %swap3A_476 = arith.constant 0 : index
      %swap3A_477 = arith.constant 896 : index
      %swap3A_478 = vector.load %arg9[%swap3A_476, %swap3A_477] : memref<256x1024xf32, #tpu.memory_space<vmem>>, vector<256x64xf32>
      tpu.vector_store %arg9[%swap3A_476, %swap3A_477], %mul3A_475 {strides = array<i32>} : memref<256x1024xf32, #tpu.memory_space<vmem>>, vector<256x64xf32>,
      %slice3A_479 = vector.extract_strided_slice %get3A_447 {offsets = [0, 64], sizes = [256, 64], strides = [1, 1]} : vector<256x128xbf16> to vector<256x64xbf16>
      %slice3A_480 = vector.extract_strided_slice %get3A_450 {offsets = [0, 64], sizes = [320, 64], strides = [1, 1]} : vector<320x128xbf16> to vector<320x64xbf16>
      %slice3A_481 = vector.extract_strided_slice %get3A_453 {offsets = [0, 64], sizes = [320, 64], strides = [1, 1]} : vector<320x128xbf16> to vector<320x64xbf16>
      %dot_general3A_482 = arith.constant dense<0.000000e+00> : vector<256x320xf32>
      %dot_general3A_483 = tpu.matmul %slice3A_479, %slice3A_480, %dot_general3A_482 {dimension_numbers = #tpu.dot_dimension_numbers<[1], [1], [0], [0], [0, 0, 1, 0], [], []>, transpose_lhs_hint = false} : vector<256x64xbf16>, vector<320x64xbf16>, vector<256x320xf32> -> vector<256x320xf32>
      %exp3A_484 = math.exp %dot_general3A_483 : vector<256x320xf32>
      %jit3A_485 = arith.constant 0.000000e+00 : f32
      %broadcast_in_dim3A_486 = vector.broadcast %jit3A_485 : f32 to vector<256x320xf32>
      %select_n3A_487 = arith.select %and3A, %exp3A_484, %broadcast_in_dim3A_486 : vector<256x320xi1>, vector<256x320xf32>
      %convert_element_type3A_488 = arith.truncf %select_n3A_487 : vector<256x320xf32> to vector<256x320xbf16>
      %broadcast_in_dim3A_489 = arith.constant 1.000000e+00 : bf16
      %broadcast_in_dim3A_490 = vector.broadcast %broadcast_in_dim3A_489 : bf16 to vector<320x1xbf16>
      %concatenate3A_491 = tpu.concatenate %slice3A_481, %broadcast_in_dim3A_490 in 1 : vector<320x64xbf16>, vector<320x1xbf16> -> vector<320x65xbf16>
      %dot_general3A_492 = arith.constant dense<0.000000e+00> : vector<256x65xf32>
      %dot_general3A_493 = tpu.matmul %convert_element_type3A_488, %concatenate3A_491, %dot_general3A_492 {dimension_numbers = #tpu.dot_dimension_numbers<[1], [0], [0], [1], [0, 0, 1, 1], [], []>, transpose_lhs_hint = false} : vector<256x320xbf16>, vector<320x65xbf16>, vector<256x65xf32> -> vector<256x65xf32>
      %slice3A_494 = vector.extract_strided_slice %dot_general3A_493 {offsets = [0, 64], sizes = [256, 1], strides = [1, 1]} : vector<256x65xf32> to vector<256x1xf32>
      %div3A_495 = arith.constant 1.000000e+00 : f32
      %div3A_496 = vector.broadcast %div3A_495 : f32 to vector<256x1xf32>
      %div3A_497 = arith.divf %div3A_496, %slice3A_494 : vector<256x1xf32>
      %slice3A_498 = vector.extract_strided_slice %dot_general3A_493 {offsets = [0, 0], sizes = [256, 64], strides = [1, 1]} : vector<256x65xf32> to vector<256x64xf32>
      %mul3A_499 = vector.broadcast %div3A_497 : vector<256x1xf32> to vector<256x64xf32>
      %mul3A_500 = arith.mulf %slice3A_498, %mul3A_499 : vector<256x64xf32>
      %swap3A_501 = arith.constant 0 : index
      %swap3A_502 = arith.constant 960 : index
      %swap3A_503 = vector.load %arg9[%swap3A_501, %swap3A_502] : memref<256x1024xf32, #tpu.memory_space<vmem>>, vector<256x64xf32>
      tpu.vector_store %arg9[%swap3A_501, %swap3A_502], %mul3A_500 {strides = array<i32>} : memref<256x1024xf32, #tpu.memory_space<vmem>>, vector<256x64xf32>,
      %get3A_504 = arith.constant 0 : index
      %get3A_505 = arith.constant 0 : index
      %get3A_506 = vector.load %arg9[%get3A_504, %get3A_505] : memref<256x1024xf32, #tpu.memory_space<vmem>>, vector<256x1024xf32>
      %convert_element_type3A_507 = arith.truncf %get3A_506 : vector<256x1024xf32> to vector<256x1024xbf16>
      %get3A_508 = arith.constant 0 : index
      %get3A_509 = arith.constant 0 : index
      %get3A_510 = vector.load %arg4[%get3A_508, %get3A_509] : memref<1024x1024xbf16, #tpu.memory_space<vmem>>, vector<1024x1024xbf16>
      %dot_general3A_511 = arith.constant dense<0.000000e+00> : vector<256x1024xf32>
      %dot_general3A_512 = tpu.matmul %convert_element_type3A_507, %get3A_510, %dot_general3A_511 {dimension_numbers = #tpu.dot_dimension_numbers<[1], [0], [0], [1], [0, 0, 1, 1], [], []>, transpose_lhs_hint = false} : vector<256x1024xbf16>, vector<1024x1024xbf16>, vector<256x1024xf32> -> vector<256x1024xf32>
      %get3A_513 = arith.constant 0 : index
      %get3A_514 = arith.constant 0 : index
      %get3A_515 = vector.load %arg5[%get3A_513, %get3A_514] : memref<1x1024xf32, #tpu.memory_space<vmem>>, vector<1x1024xf32>
      %add3A_516 = vector.broadcast %get3A_515 : vector<1x1024xf32> to vector<256x1024xf32>
      %add3A_517 = arith.addf %dot_general3A_512, %add3A_516 : vector<256x1024xf32>
      %swap3A_518 = arith.constant 0 : index
      %swap3A_519 = arith.constant 0 : index
      %swap3A_520 = vector.load %arg7[%swap3A_518, %swap3A_519] : memref<256x1024xf32, #tpu.memory_space<vmem>>, vector<256x1024xf32>
      tpu.vector_store %arg7[%swap3A_518, %swap3A_519], %add3A_517 {strides = array<i32>} : memref<256x1024xf32, #tpu.memory_space<vmem>>, vector<256x1024xf32>,
    } else {
    }
    return
  }
  func.func @transform_0(%arg0: i32) -> (i32, i32) {
    %min3A = arith.constant 7 : i32
    %min3A_0 = arith.minsi %arg0, %min3A : i32
    %c0_i32 = arith.constant 0 : i32
    %c0_i32_1 = arith.constant 0 : i32
    return %min3A_0, %c0_i32 : i32, i32
  }
  func.func @transform_1(%arg0: i32) -> (i32, i32) {
    %c0_i32 = arith.constant 0 : i32
    %c0_i32_0 = arith.constant 0 : i32
    %c0_i32_1 = arith.constant 0 : i32
    return %c0_i32, %c0_i32_0 : i32, i32
  }
  func.func @transform_2(%arg0: i32) -> (i32, i32) {
    %c0_i32 = arith.constant 0 : i32
    %c0_i32_0 = arith.constant 0 : i32
    %c0_i32_1 = arith.constant 0 : i32
    return %c0_i32, %c0_i32_0 : i32, i32
  }
  func.func @transform_3(%arg0: i32) -> (i32, i32) {
    %c0_i32 = arith.constant 0 : i32
    %c0_i32_0 = arith.constant 0 : i32
    %c0_i32_1 = arith.constant 0 : i32
    return %c0_i32, %c0_i32_0 : i32, i32
  }
  func.func @transform_4(%arg0: i32) -> (i32, i32) {
    %c0_i32 = arith.constant 0 : i32
    %c0_i32_0 = arith.constant 0 : i32
    %c0_i32_1 = arith.constant 0 : i32
    return %c0_i32, %c0_i32_0 : i32, i32
  }
  func.func @transform_5(%arg0: i32) -> (i32, i32) {
    %c0_i32 = arith.constant 0 : i32
    %c0_i32_0 = arith.constant 0 : i32
    %c0_i32_1 = arith.constant 0 : i32
    return %c0_i32, %c0_i32_0 : i32, i32
  }
  func.func @transform_6(%arg0: i32) -> (i32, i32) {
    %sub3A = arith.constant 2 : i32
    %sub3A_0 = arith.subi %arg0, %sub3A : i32
    %jit3A = arith.constant 0 : i32
    %jit3A_1 = arith.constant 7 : i32
    %max3A = arith.maxsi %jit3A, %sub3A_0 : i32
    %min3A = arith.minsi %jit3A_1, %max3A : i32
    %c0_i32 = arith.constant 0 : i32
    %c0_i32_2 = arith.constant 0 : i32
    return %min3A, %c0_i32 : i32, i32
  }
}

module attributes {stable_mosaic.version = 14 : i64} {
  func.func @_routing_body(%arg0: memref<1x2048xf32, #tpu.memory_space<vmem>>, %arg1: memref<1x2048xi32, #tpu.memory_space<vmem>>, %arg2: memref<1x2048xi32, #tpu.memory_space<vmem>>, %arg3: memref<1x2048xi32, #tpu.memory_space<vmem>>, %arg4: memref<1x2048xf32, #tpu.memory_space<vmem>>) attributes {dimension_semantics = [], scalar_prefetch = 0 : i64, scratch_operands = 1 : i64, tpu.core_type = #tpu.core_type<tc>} {
    %get3A = arith.constant 0 : index
    %get3A_0 = arith.constant 0 : index
    %get3A_1 = vector.load %arg0[%get3A, %get3A_0] : memref<1x2048xf32, #tpu.memory_space<vmem>>, vector<1x2048xf32>
    %get3A_2 = vector.shape_cast %get3A_1 : vector<1x2048xf32> to vector<2048xf32>
    %reshape3A = vector.shape_cast %get3A_2 : vector<2048xf32> to vector<1x2048xf32>
    %iota3A = tpu.iota {dimensions = array<i32: 1>} : vector<256x2048xi32>
    %get3A_3 = arith.constant 0 : index
    %get3A_4 = arith.constant 0 : index
    %get3A_5 = vector.load %arg0[%get3A_3, %get3A_4] : memref<1x2048xf32, #tpu.memory_space<vmem>>, vector<1x256xf32>
    %get3A_6 = vector.shape_cast %get3A_5 : vector<1x256xf32> to vector<256xf32>
    %reshape3A_7 = vector.shape_cast %get3A_6 : vector<256xf32> to vector<256x1xf32>
    %iota3A_8 = tpu.iota {dimensions = array<i32: 0>} : vector<256x2048xi32>
    %add3A = arith.constant 0 : i32
    %add3A_9 = vector.broadcast %add3A : i32 to vector<256x2048xi32>
    %add3A_10 = arith.addi %iota3A_8, %add3A_9 : vector<256x2048xi32>
    %lt3A = vector.broadcast %reshape3A : vector<1x2048xf32> to vector<256x2048xf32>
    %lt3A_11 = vector.broadcast %reshape3A_7 : vector<256x1xf32> to vector<256x2048xf32>
    %lt3A_12 = arith.cmpf olt, %lt3A, %lt3A_11 : vector<256x2048xf32>
    %eq3A = vector.broadcast %reshape3A : vector<1x2048xf32> to vector<256x2048xf32>
    %eq3A_13 = vector.broadcast %reshape3A_7 : vector<256x1xf32> to vector<256x2048xf32>
    %eq3A_14 = arith.cmpf oeq, %eq3A, %eq3A_13 : vector<256x2048xf32>
    %lt3A_15 = arith.cmpi slt, %iota3A, %add3A_10 : vector<256x2048xi32>
    %and3A = arith.andi %eq3A_14, %lt3A_15 : vector<256x2048xi1>
    %or3A = arith.ori %lt3A_12, %and3A : vector<256x2048xi1>
    %convert_element_type3A = arith.extui %or3A : vector<256x2048xi1> to vector<256x2048xi32>
    %reduce_sum3A = arith.constant dense<0> : vector<256xi32>
    %reduce_sum3A_16 = vector.multi_reduction <add>, %convert_element_type3A, %reduce_sum3A [1] : vector<256x2048xi32> to vector<256xi32>
    %swap3A = arith.constant 0 : index
    %swap3A_17 = arith.constant 0 : index
    %swap3A_18 = vector.load %arg1[%swap3A, %swap3A_17] : memref<1x2048xi32, #tpu.memory_space<vmem>>, vector<1x256xi32>
    %swap3A_19 = vector.shape_cast %swap3A_18 : vector<1x256xi32> to vector<256xi32>
    %swap3A_20 = vector.shape_cast %reduce_sum3A_16 : vector<256xi32> to vector<1x256xi32>
    tpu.vector_store %arg1[%swap3A, %swap3A_17], %swap3A_20 {strides = array<i32>} : memref<1x2048xi32, #tpu.memory_space<vmem>>, vector<1x256xi32>,
    %get3A_21 = arith.constant 0 : index
    %get3A_22 = arith.constant 256 : index
    %get3A_23 = vector.load %arg0[%get3A_21, %get3A_22] : memref<1x2048xf32, #tpu.memory_space<vmem>>, vector<1x256xf32>
    %get3A_24 = vector.shape_cast %get3A_23 : vector<1x256xf32> to vector<256xf32>
    %reshape3A_25 = vector.shape_cast %get3A_24 : vector<256xf32> to vector<256x1xf32>
    %iota3A_26 = tpu.iota {dimensions = array<i32: 0>} : vector<256x2048xi32>
    %add3A_27 = arith.constant 256 : i32
    %add3A_28 = vector.broadcast %add3A_27 : i32 to vector<256x2048xi32>
    %add3A_29 = arith.addi %iota3A_26, %add3A_28 : vector<256x2048xi32>
    %lt3A_30 = vector.broadcast %reshape3A : vector<1x2048xf32> to vector<256x2048xf32>
    %lt3A_31 = vector.broadcast %reshape3A_25 : vector<256x1xf32> to vector<256x2048xf32>
    %lt3A_32 = arith.cmpf olt, %lt3A_30, %lt3A_31 : vector<256x2048xf32>
    %eq3A_33 = vector.broadcast %reshape3A : vector<1x2048xf32> to vector<256x2048xf32>
    %eq3A_34 = vector.broadcast %reshape3A_25 : vector<256x1xf32> to vector<256x2048xf32>
    %eq3A_35 = arith.cmpf oeq, %eq3A_33, %eq3A_34 : vector<256x2048xf32>
    %lt3A_36 = arith.cmpi slt, %iota3A, %add3A_29 : vector<256x2048xi32>
    %and3A_37 = arith.andi %eq3A_35, %lt3A_36 : vector<256x2048xi1>
    %or3A_38 = arith.ori %lt3A_32, %and3A_37 : vector<256x2048xi1>
    %convert_element_type3A_39 = arith.extui %or3A_38 : vector<256x2048xi1> to vector<256x2048xi32>
    %reduce_sum3A_40 = arith.constant dense<0> : vector<256xi32>
    %reduce_sum3A_41 = vector.multi_reduction <add>, %convert_element_type3A_39, %reduce_sum3A_40 [1] : vector<256x2048xi32> to vector<256xi32>
    %swap3A_42 = arith.constant 0 : index
    %swap3A_43 = arith.constant 256 : index
    %swap3A_44 = vector.load %arg1[%swap3A_42, %swap3A_43] : memref<1x2048xi32, #tpu.memory_space<vmem>>, vector<1x256xi32>
    %swap3A_45 = vector.shape_cast %swap3A_44 : vector<1x256xi32> to vector<256xi32>
    %swap3A_46 = vector.shape_cast %reduce_sum3A_41 : vector<256xi32> to vector<1x256xi32>
    tpu.vector_store %arg1[%swap3A_42, %swap3A_43], %swap3A_46 {strides = array<i32>} : memref<1x2048xi32, #tpu.memory_space<vmem>>, vector<1x256xi32>,
    %get3A_47 = arith.constant 0 : index
    %get3A_48 = arith.constant 512 : index
    %get3A_49 = vector.load %arg0[%get3A_47, %get3A_48] : memref<1x2048xf32, #tpu.memory_space<vmem>>, vector<1x256xf32>
    %get3A_50 = vector.shape_cast %get3A_49 : vector<1x256xf32> to vector<256xf32>
    %reshape3A_51 = vector.shape_cast %get3A_50 : vector<256xf32> to vector<256x1xf32>
    %iota3A_52 = tpu.iota {dimensions = array<i32: 0>} : vector<256x2048xi32>
    %add3A_53 = arith.constant 512 : i32
    %add3A_54 = vector.broadcast %add3A_53 : i32 to vector<256x2048xi32>
    %add3A_55 = arith.addi %iota3A_52, %add3A_54 : vector<256x2048xi32>
    %lt3A_56 = vector.broadcast %reshape3A : vector<1x2048xf32> to vector<256x2048xf32>
    %lt3A_57 = vector.broadcast %reshape3A_51 : vector<256x1xf32> to vector<256x2048xf32>
    %lt3A_58 = arith.cmpf olt, %lt3A_56, %lt3A_57 : vector<256x2048xf32>
    %eq3A_59 = vector.broadcast %reshape3A : vector<1x2048xf32> to vector<256x2048xf32>
    %eq3A_60 = vector.broadcast %reshape3A_51 : vector<256x1xf32> to vector<256x2048xf32>
    %eq3A_61 = arith.cmpf oeq, %eq3A_59, %eq3A_60 : vector<256x2048xf32>
    %lt3A_62 = arith.cmpi slt, %iota3A, %add3A_55 : vector<256x2048xi32>
    %and3A_63 = arith.andi %eq3A_61, %lt3A_62 : vector<256x2048xi1>
    %or3A_64 = arith.ori %lt3A_58, %and3A_63 : vector<256x2048xi1>
    %convert_element_type3A_65 = arith.extui %or3A_64 : vector<256x2048xi1> to vector<256x2048xi32>
    %reduce_sum3A_66 = arith.constant dense<0> : vector<256xi32>
    %reduce_sum3A_67 = vector.multi_reduction <add>, %convert_element_type3A_65, %reduce_sum3A_66 [1] : vector<256x2048xi32> to vector<256xi32>
    %swap3A_68 = arith.constant 0 : index
    %swap3A_69 = arith.constant 512 : index
    %swap3A_70 = vector.load %arg1[%swap3A_68, %swap3A_69] : memref<1x2048xi32, #tpu.memory_space<vmem>>, vector<1x256xi32>
    %swap3A_71 = vector.shape_cast %swap3A_70 : vector<1x256xi32> to vector<256xi32>
    %swap3A_72 = vector.shape_cast %reduce_sum3A_67 : vector<256xi32> to vector<1x256xi32>
    tpu.vector_store %arg1[%swap3A_68, %swap3A_69], %swap3A_72 {strides = array<i32>} : memref<1x2048xi32, #tpu.memory_space<vmem>>, vector<1x256xi32>,
    %get3A_73 = arith.constant 0 : index
    %get3A_74 = arith.constant 768 : index
    %get3A_75 = vector.load %arg0[%get3A_73, %get3A_74] : memref<1x2048xf32, #tpu.memory_space<vmem>>, vector<1x256xf32>
    %get3A_76 = vector.shape_cast %get3A_75 : vector<1x256xf32> to vector<256xf32>
    %reshape3A_77 = vector.shape_cast %get3A_76 : vector<256xf32> to vector<256x1xf32>
    %iota3A_78 = tpu.iota {dimensions = array<i32: 0>} : vector<256x2048xi32>
    %add3A_79 = arith.constant 768 : i32
    %add3A_80 = vector.broadcast %add3A_79 : i32 to vector<256x2048xi32>
    %add3A_81 = arith.addi %iota3A_78, %add3A_80 : vector<256x2048xi32>
    %lt3A_82 = vector.broadcast %reshape3A : vector<1x2048xf32> to vector<256x2048xf32>
    %lt3A_83 = vector.broadcast %reshape3A_77 : vector<256x1xf32> to vector<256x2048xf32>
    %lt3A_84 = arith.cmpf olt, %lt3A_82, %lt3A_83 : vector<256x2048xf32>
    %eq3A_85 = vector.broadcast %reshape3A : vector<1x2048xf32> to vector<256x2048xf32>
    %eq3A_86 = vector.broadcast %reshape3A_77 : vector<256x1xf32> to vector<256x2048xf32>
    %eq3A_87 = arith.cmpf oeq, %eq3A_85, %eq3A_86 : vector<256x2048xf32>
    %lt3A_88 = arith.cmpi slt, %iota3A, %add3A_81 : vector<256x2048xi32>
    %and3A_89 = arith.andi %eq3A_87, %lt3A_88 : vector<256x2048xi1>
    %or3A_90 = arith.ori %lt3A_84, %and3A_89 : vector<256x2048xi1>
    %convert_element_type3A_91 = arith.extui %or3A_90 : vector<256x2048xi1> to vector<256x2048xi32>
    %reduce_sum3A_92 = arith.constant dense<0> : vector<256xi32>
    %reduce_sum3A_93 = vector.multi_reduction <add>, %convert_element_type3A_91, %reduce_sum3A_92 [1] : vector<256x2048xi32> to vector<256xi32>
    %swap3A_94 = arith.constant 0 : index
    %swap3A_95 = arith.constant 768 : index
    %swap3A_96 = vector.load %arg1[%swap3A_94, %swap3A_95] : memref<1x2048xi32, #tpu.memory_space<vmem>>, vector<1x256xi32>
    %swap3A_97 = vector.shape_cast %swap3A_96 : vector<1x256xi32> to vector<256xi32>
    %swap3A_98 = vector.shape_cast %reduce_sum3A_93 : vector<256xi32> to vector<1x256xi32>
    tpu.vector_store %arg1[%swap3A_94, %swap3A_95], %swap3A_98 {strides = array<i32>} : memref<1x2048xi32, #tpu.memory_space<vmem>>, vector<1x256xi32>,
    %get3A_99 = arith.constant 0 : index
    %get3A_100 = arith.constant 1024 : index
    %get3A_101 = vector.load %arg0[%get3A_99, %get3A_100] : memref<1x2048xf32, #tpu.memory_space<vmem>>, vector<1x256xf32>
    %get3A_102 = vector.shape_cast %get3A_101 : vector<1x256xf32> to vector<256xf32>
    %reshape3A_103 = vector.shape_cast %get3A_102 : vector<256xf32> to vector<256x1xf32>
    %iota3A_104 = tpu.iota {dimensions = array<i32: 0>} : vector<256x2048xi32>
    %add3A_105 = arith.constant 1024 : i32
    %add3A_106 = vector.broadcast %add3A_105 : i32 to vector<256x2048xi32>
    %add3A_107 = arith.addi %iota3A_104, %add3A_106 : vector<256x2048xi32>
    %lt3A_108 = vector.broadcast %reshape3A : vector<1x2048xf32> to vector<256x2048xf32>
    %lt3A_109 = vector.broadcast %reshape3A_103 : vector<256x1xf32> to vector<256x2048xf32>
    %lt3A_110 = arith.cmpf olt, %lt3A_108, %lt3A_109 : vector<256x2048xf32>
    %eq3A_111 = vector.broadcast %reshape3A : vector<1x2048xf32> to vector<256x2048xf32>
    %eq3A_112 = vector.broadcast %reshape3A_103 : vector<256x1xf32> to vector<256x2048xf32>
    %eq3A_113 = arith.cmpf oeq, %eq3A_111, %eq3A_112 : vector<256x2048xf32>
    %lt3A_114 = arith.cmpi slt, %iota3A, %add3A_107 : vector<256x2048xi32>
    %and3A_115 = arith.andi %eq3A_113, %lt3A_114 : vector<256x2048xi1>
    %or3A_116 = arith.ori %lt3A_110, %and3A_115 : vector<256x2048xi1>
    %convert_element_type3A_117 = arith.extui %or3A_116 : vector<256x2048xi1> to vector<256x2048xi32>
    %reduce_sum3A_118 = arith.constant dense<0> : vector<256xi32>
    %reduce_sum3A_119 = vector.multi_reduction <add>, %convert_element_type3A_117, %reduce_sum3A_118 [1] : vector<256x2048xi32> to vector<256xi32>
    %swap3A_120 = arith.constant 0 : index
    %swap3A_121 = arith.constant 1024 : index
    %swap3A_122 = vector.load %arg1[%swap3A_120, %swap3A_121] : memref<1x2048xi32, #tpu.memory_space<vmem>>, vector<1x256xi32>
    %swap3A_123 = vector.shape_cast %swap3A_122 : vector<1x256xi32> to vector<256xi32>
    %swap3A_124 = vector.shape_cast %reduce_sum3A_119 : vector<256xi32> to vector<1x256xi32>
    tpu.vector_store %arg1[%swap3A_120, %swap3A_121], %swap3A_124 {strides = array<i32>} : memref<1x2048xi32, #tpu.memory_space<vmem>>, vector<1x256xi32>,
    %get3A_125 = arith.constant 0 : index
    %get3A_126 = arith.constant 1280 : index
    %get3A_127 = vector.load %arg0[%get3A_125, %get3A_126] : memref<1x2048xf32, #tpu.memory_space<vmem>>, vector<1x256xf32>
    %get3A_128 = vector.shape_cast %get3A_127 : vector<1x256xf32> to vector<256xf32>
    %reshape3A_129 = vector.shape_cast %get3A_128 : vector<256xf32> to vector<256x1xf32>
    %iota3A_130 = tpu.iota {dimensions = array<i32: 0>} : vector<256x2048xi32>
    %add3A_131 = arith.constant 1280 : i32
    %add3A_132 = vector.broadcast %add3A_131 : i32 to vector<256x2048xi32>
    %add3A_133 = arith.addi %iota3A_130, %add3A_132 : vector<256x2048xi32>
    %lt3A_134 = vector.broadcast %reshape3A : vector<1x2048xf32> to vector<256x2048xf32>
    %lt3A_135 = vector.broadcast %reshape3A_129 : vector<256x1xf32> to vector<256x2048xf32>
    %lt3A_136 = arith.cmpf olt, %lt3A_134, %lt3A_135 : vector<256x2048xf32>
    %eq3A_137 = vector.broadcast %reshape3A : vector<1x2048xf32> to vector<256x2048xf32>
    %eq3A_138 = vector.broadcast %reshape3A_129 : vector<256x1xf32> to vector<256x2048xf32>
    %eq3A_139 = arith.cmpf oeq, %eq3A_137, %eq3A_138 : vector<256x2048xf32>
    %lt3A_140 = arith.cmpi slt, %iota3A, %add3A_133 : vector<256x2048xi32>
    %and3A_141 = arith.andi %eq3A_139, %lt3A_140 : vector<256x2048xi1>
    %or3A_142 = arith.ori %lt3A_136, %and3A_141 : vector<256x2048xi1>
    %convert_element_type3A_143 = arith.extui %or3A_142 : vector<256x2048xi1> to vector<256x2048xi32>
    %reduce_sum3A_144 = arith.constant dense<0> : vector<256xi32>
    %reduce_sum3A_145 = vector.multi_reduction <add>, %convert_element_type3A_143, %reduce_sum3A_144 [1] : vector<256x2048xi32> to vector<256xi32>
    %swap3A_146 = arith.constant 0 : index
    %swap3A_147 = arith.constant 1280 : index
    %swap3A_148 = vector.load %arg1[%swap3A_146, %swap3A_147] : memref<1x2048xi32, #tpu.memory_space<vmem>>, vector<1x256xi32>
    %swap3A_149 = vector.shape_cast %swap3A_148 : vector<1x256xi32> to vector<256xi32>
    %swap3A_150 = vector.shape_cast %reduce_sum3A_145 : vector<256xi32> to vector<1x256xi32>
    tpu.vector_store %arg1[%swap3A_146, %swap3A_147], %swap3A_150 {strides = array<i32>} : memref<1x2048xi32, #tpu.memory_space<vmem>>, vector<1x256xi32>,
    %get3A_151 = arith.constant 0 : index
    %get3A_152 = arith.constant 1536 : index
    %get3A_153 = vector.load %arg0[%get3A_151, %get3A_152] : memref<1x2048xf32, #tpu.memory_space<vmem>>, vector<1x256xf32>
    %get3A_154 = vector.shape_cast %get3A_153 : vector<1x256xf32> to vector<256xf32>
    %reshape3A_155 = vector.shape_cast %get3A_154 : vector<256xf32> to vector<256x1xf32>
    %iota3A_156 = tpu.iota {dimensions = array<i32: 0>} : vector<256x2048xi32>
    %add3A_157 = arith.constant 1536 : i32
    %add3A_158 = vector.broadcast %add3A_157 : i32 to vector<256x2048xi32>
    %add3A_159 = arith.addi %iota3A_156, %add3A_158 : vector<256x2048xi32>
    %lt3A_160 = vector.broadcast %reshape3A : vector<1x2048xf32> to vector<256x2048xf32>
    %lt3A_161 = vector.broadcast %reshape3A_155 : vector<256x1xf32> to vector<256x2048xf32>
    %lt3A_162 = arith.cmpf olt, %lt3A_160, %lt3A_161 : vector<256x2048xf32>
    %eq3A_163 = vector.broadcast %reshape3A : vector<1x2048xf32> to vector<256x2048xf32>
    %eq3A_164 = vector.broadcast %reshape3A_155 : vector<256x1xf32> to vector<256x2048xf32>
    %eq3A_165 = arith.cmpf oeq, %eq3A_163, %eq3A_164 : vector<256x2048xf32>
    %lt3A_166 = arith.cmpi slt, %iota3A, %add3A_159 : vector<256x2048xi32>
    %and3A_167 = arith.andi %eq3A_165, %lt3A_166 : vector<256x2048xi1>
    %or3A_168 = arith.ori %lt3A_162, %and3A_167 : vector<256x2048xi1>
    %convert_element_type3A_169 = arith.extui %or3A_168 : vector<256x2048xi1> to vector<256x2048xi32>
    %reduce_sum3A_170 = arith.constant dense<0> : vector<256xi32>
    %reduce_sum3A_171 = vector.multi_reduction <add>, %convert_element_type3A_169, %reduce_sum3A_170 [1] : vector<256x2048xi32> to vector<256xi32>
    %swap3A_172 = arith.constant 0 : index
    %swap3A_173 = arith.constant 1536 : index
    %swap3A_174 = vector.load %arg1[%swap3A_172, %swap3A_173] : memref<1x2048xi32, #tpu.memory_space<vmem>>, vector<1x256xi32>
    %swap3A_175 = vector.shape_cast %swap3A_174 : vector<1x256xi32> to vector<256xi32>
    %swap3A_176 = vector.shape_cast %reduce_sum3A_171 : vector<256xi32> to vector<1x256xi32>
    tpu.vector_store %arg1[%swap3A_172, %swap3A_173], %swap3A_176 {strides = array<i32>} : memref<1x2048xi32, #tpu.memory_space<vmem>>, vector<1x256xi32>,
    %get3A_177 = arith.constant 0 : index
    %get3A_178 = arith.constant 1792 : index
    %get3A_179 = vector.load %arg0[%get3A_177, %get3A_178] : memref<1x2048xf32, #tpu.memory_space<vmem>>, vector<1x256xf32>
    %get3A_180 = vector.shape_cast %get3A_179 : vector<1x256xf32> to vector<256xf32>
    %reshape3A_181 = vector.shape_cast %get3A_180 : vector<256xf32> to vector<256x1xf32>
    %iota3A_182 = tpu.iota {dimensions = array<i32: 0>} : vector<256x2048xi32>
    %add3A_183 = arith.constant 1792 : i32
    %add3A_184 = vector.broadcast %add3A_183 : i32 to vector<256x2048xi32>
    %add3A_185 = arith.addi %iota3A_182, %add3A_184 : vector<256x2048xi32>
    %lt3A_186 = vector.broadcast %reshape3A : vector<1x2048xf32> to vector<256x2048xf32>
    %lt3A_187 = vector.broadcast %reshape3A_181 : vector<256x1xf32> to vector<256x2048xf32>
    %lt3A_188 = arith.cmpf olt, %lt3A_186, %lt3A_187 : vector<256x2048xf32>
    %eq3A_189 = vector.broadcast %reshape3A : vector<1x2048xf32> to vector<256x2048xf32>
    %eq3A_190 = vector.broadcast %reshape3A_181 : vector<256x1xf32> to vector<256x2048xf32>
    %eq3A_191 = arith.cmpf oeq, %eq3A_189, %eq3A_190 : vector<256x2048xf32>
    %lt3A_192 = arith.cmpi slt, %iota3A, %add3A_185 : vector<256x2048xi32>
    %and3A_193 = arith.andi %eq3A_191, %lt3A_192 : vector<256x2048xi1>
    %or3A_194 = arith.ori %lt3A_188, %and3A_193 : vector<256x2048xi1>
    %convert_element_type3A_195 = arith.extui %or3A_194 : vector<256x2048xi1> to vector<256x2048xi32>
    %reduce_sum3A_196 = arith.constant dense<0> : vector<256xi32>
    %reduce_sum3A_197 = vector.multi_reduction <add>, %convert_element_type3A_195, %reduce_sum3A_196 [1] : vector<256x2048xi32> to vector<256xi32>
    %swap3A_198 = arith.constant 0 : index
    %swap3A_199 = arith.constant 1792 : index
    %swap3A_200 = vector.load %arg1[%swap3A_198, %swap3A_199] : memref<1x2048xi32, #tpu.memory_space<vmem>>, vector<1x256xi32>
    %swap3A_201 = vector.shape_cast %swap3A_200 : vector<1x256xi32> to vector<256xi32>
    %swap3A_202 = vector.shape_cast %reduce_sum3A_197 : vector<256xi32> to vector<1x256xi32>
    tpu.vector_store %arg1[%swap3A_198, %swap3A_199], %swap3A_202 {strides = array<i32>} : memref<1x2048xi32, #tpu.memory_space<vmem>>, vector<1x256xi32>,
    %get3A_203 = arith.constant 0 : index
    %get3A_204 = arith.constant 0 : index
    %get3A_205 = vector.load %arg1[%get3A_203, %get3A_204] : memref<1x2048xi32, #tpu.memory_space<vmem>>, vector<1x2048xi32>
    %get3A_206 = vector.shape_cast %get3A_205 : vector<1x2048xi32> to vector<2048xi32>
    %reshape3A_207 = vector.shape_cast %get3A_206 : vector<2048xi32> to vector<1x2048xi32>
    %iota3A_208 = tpu.iota {dimensions = array<i32: 0>} : vector<256x2048xi32>
    %add3A_209 = arith.constant 0 : i32
    %add3A_210 = vector.broadcast %add3A_209 : i32 to vector<256x2048xi32>
    %add3A_211 = arith.addi %iota3A_208, %add3A_210 : vector<256x2048xi32>
    %eq3A_212 = vector.broadcast %reshape3A_207 : vector<1x2048xi32> to vector<256x2048xi32>
    %eq3A_213 = arith.cmpi eq, %eq3A_212, %add3A_211 : vector<256x2048xi32>
    %jit3A = arith.constant 0.000000e+00 : f32
    %broadcast_in_dim3A = vector.shape_cast %reshape3A : vector<1x2048xf32> to vector<1x2048xf32>
    %broadcast_in_dim3A_214 = vector.broadcast %broadcast_in_dim3A : vector<1x2048xf32> to vector<256x2048xf32>
    %broadcast_in_dim3A_215 = vector.broadcast %jit3A : f32 to vector<256x2048xf32>
    %select_n3A = arith.select %eq3A_213, %broadcast_in_dim3A_214, %broadcast_in_dim3A_215 : vector<256x2048xi1>, vector<256x2048xf32>
    %reduce_sum3A_216 = arith.constant dense<0.000000e+00> : vector<256xf32>
    %reduce_sum3A_217 = vector.multi_reduction <add>, %select_n3A, %reduce_sum3A_216 [1] : vector<256x2048xf32> to vector<256xf32>
    %swap3A_218 = arith.constant 0 : index
    %swap3A_219 = arith.constant 0 : index
    %swap3A_220 = vector.load %arg4[%swap3A_218, %swap3A_219] : memref<1x2048xf32, #tpu.memory_space<vmem>>, vector<1x256xf32>
    %swap3A_221 = vector.shape_cast %swap3A_220 : vector<1x256xf32> to vector<256xf32>
    %swap3A_222 = vector.shape_cast %reduce_sum3A_217 : vector<256xf32> to vector<1x256xf32>
    tpu.vector_store %arg4[%swap3A_218, %swap3A_219], %swap3A_222 {strides = array<i32>} : memref<1x2048xf32, #tpu.memory_space<vmem>>, vector<1x256xf32>,
    %jit3A_223 = arith.constant 0 : i32
    %broadcast_in_dim3A_224 = vector.broadcast %jit3A_223 : i32 to vector<256x2048xi32>
    %select_n3A_225 = arith.select %eq3A_213, %iota3A, %broadcast_in_dim3A_224 : vector<256x2048xi1>, vector<256x2048xi32>
    %reduce_sum3A_226 = arith.constant dense<0> : vector<256xi32>
    %reduce_sum3A_227 = vector.multi_reduction <add>, %select_n3A_225, %reduce_sum3A_226 [1] : vector<256x2048xi32> to vector<256xi32>
    %swap3A_228 = arith.constant 0 : index
    %swap3A_229 = arith.constant 0 : index
    %swap3A_230 = vector.load %arg2[%swap3A_228, %swap3A_229] : memref<1x2048xi32, #tpu.memory_space<vmem>>, vector<1x256xi32>
    %swap3A_231 = vector.shape_cast %swap3A_230 : vector<1x256xi32> to vector<256xi32>
    %swap3A_232 = vector.shape_cast %reduce_sum3A_227 : vector<256xi32> to vector<1x256xi32>
    tpu.vector_store %arg2[%swap3A_228, %swap3A_229], %swap3A_232 {strides = array<i32>} : memref<1x2048xi32, #tpu.memory_space<vmem>>, vector<1x256xi32>,
    %iota3A_233 = tpu.iota {dimensions = array<i32: 0>} : vector<256x2048xi32>
    %add3A_234 = arith.constant 256 : i32
    %add3A_235 = vector.broadcast %add3A_234 : i32 to vector<256x2048xi32>
    %add3A_236 = arith.addi %iota3A_233, %add3A_235 : vector<256x2048xi32>
    %eq3A_237 = vector.broadcast %reshape3A_207 : vector<1x2048xi32> to vector<256x2048xi32>
    %eq3A_238 = arith.cmpi eq, %eq3A_237, %add3A_236 : vector<256x2048xi32>
    %jit3A_239 = arith.constant 0.000000e+00 : f32
    %broadcast_in_dim3A_240 = vector.shape_cast %reshape3A : vector<1x2048xf32> to vector<1x2048xf32>
    %broadcast_in_dim3A_241 = vector.broadcast %broadcast_in_dim3A_240 : vector<1x2048xf32> to vector<256x2048xf32>
    %broadcast_in_dim3A_242 = vector.broadcast %jit3A_239 : f32 to vector<256x2048xf32>
    %select_n3A_243 = arith.select %eq3A_238, %broadcast_in_dim3A_241, %broadcast_in_dim3A_242 : vector<256x2048xi1>, vector<256x2048xf32>
    %reduce_sum3A_244 = arith.constant dense<0.000000e+00> : vector<256xf32>
    %reduce_sum3A_245 = vector.multi_reduction <add>, %select_n3A_243, %reduce_sum3A_244 [1] : vector<256x2048xf32> to vector<256xf32>
    %swap3A_246 = arith.constant 0 : index
    %swap3A_247 = arith.constant 256 : index
    %swap3A_248 = vector.load %arg4[%swap3A_246, %swap3A_247] : memref<1x2048xf32, #tpu.memory_space<vmem>>, vector<1x256xf32>
    %swap3A_249 = vector.shape_cast %swap3A_248 : vector<1x256xf32> to vector<256xf32>
    %swap3A_250 = vector.shape_cast %reduce_sum3A_245 : vector<256xf32> to vector<1x256xf32>
    tpu.vector_store %arg4[%swap3A_246, %swap3A_247], %swap3A_250 {strides = array<i32>} : memref<1x2048xf32, #tpu.memory_space<vmem>>, vector<1x256xf32>,
    %jit3A_251 = arith.constant 0 : i32
    %broadcast_in_dim3A_252 = vector.broadcast %jit3A_251 : i32 to vector<256x2048xi32>
    %select_n3A_253 = arith.select %eq3A_238, %iota3A, %broadcast_in_dim3A_252 : vector<256x2048xi1>, vector<256x2048xi32>
    %reduce_sum3A_254 = arith.constant dense<0> : vector<256xi32>
    %reduce_sum3A_255 = vector.multi_reduction <add>, %select_n3A_253, %reduce_sum3A_254 [1] : vector<256x2048xi32> to vector<256xi32>
    %swap3A_256 = arith.constant 0 : index
    %swap3A_257 = arith.constant 256 : index
    %swap3A_258 = vector.load %arg2[%swap3A_256, %swap3A_257] : memref<1x2048xi32, #tpu.memory_space<vmem>>, vector<1x256xi32>
    %swap3A_259 = vector.shape_cast %swap3A_258 : vector<1x256xi32> to vector<256xi32>
    %swap3A_260 = vector.shape_cast %reduce_sum3A_255 : vector<256xi32> to vector<1x256xi32>
    tpu.vector_store %arg2[%swap3A_256, %swap3A_257], %swap3A_260 {strides = array<i32>} : memref<1x2048xi32, #tpu.memory_space<vmem>>, vector<1x256xi32>,
    %iota3A_261 = tpu.iota {dimensions = array<i32: 0>} : vector<256x2048xi32>
    %add3A_262 = arith.constant 512 : i32
    %add3A_263 = vector.broadcast %add3A_262 : i32 to vector<256x2048xi32>
    %add3A_264 = arith.addi %iota3A_261, %add3A_263 : vector<256x2048xi32>
    %eq3A_265 = vector.broadcast %reshape3A_207 : vector<1x2048xi32> to vector<256x2048xi32>
    %eq3A_266 = arith.cmpi eq, %eq3A_265, %add3A_264 : vector<256x2048xi32>
    %jit3A_267 = arith.constant 0.000000e+00 : f32
    %broadcast_in_dim3A_268 = vector.shape_cast %reshape3A : vector<1x2048xf32> to vector<1x2048xf32>
    %broadcast_in_dim3A_269 = vector.broadcast %broadcast_in_dim3A_268 : vector<1x2048xf32> to vector<256x2048xf32>
    %broadcast_in_dim3A_270 = vector.broadcast %jit3A_267 : f32 to vector<256x2048xf32>
    %select_n3A_271 = arith.select %eq3A_266, %broadcast_in_dim3A_269, %broadcast_in_dim3A_270 : vector<256x2048xi1>, vector<256x2048xf32>
    %reduce_sum3A_272 = arith.constant dense<0.000000e+00> : vector<256xf32>
    %reduce_sum3A_273 = vector.multi_reduction <add>, %select_n3A_271, %reduce_sum3A_272 [1] : vector<256x2048xf32> to vector<256xf32>
    %swap3A_274 = arith.constant 0 : index
    %swap3A_275 = arith.constant 512 : index
    %swap3A_276 = vector.load %arg4[%swap3A_274, %swap3A_275] : memref<1x2048xf32, #tpu.memory_space<vmem>>, vector<1x256xf32>
    %swap3A_277 = vector.shape_cast %swap3A_276 : vector<1x256xf32> to vector<256xf32>
    %swap3A_278 = vector.shape_cast %reduce_sum3A_273 : vector<256xf32> to vector<1x256xf32>
    tpu.vector_store %arg4[%swap3A_274, %swap3A_275], %swap3A_278 {strides = array<i32>} : memref<1x2048xf32, #tpu.memory_space<vmem>>, vector<1x256xf32>,
    %jit3A_279 = arith.constant 0 : i32
    %broadcast_in_dim3A_280 = vector.broadcast %jit3A_279 : i32 to vector<256x2048xi32>
    %select_n3A_281 = arith.select %eq3A_266, %iota3A, %broadcast_in_dim3A_280 : vector<256x2048xi1>, vector<256x2048xi32>
    %reduce_sum3A_282 = arith.constant dense<0> : vector<256xi32>
    %reduce_sum3A_283 = vector.multi_reduction <add>, %select_n3A_281, %reduce_sum3A_282 [1] : vector<256x2048xi32> to vector<256xi32>
    %swap3A_284 = arith.constant 0 : index
    %swap3A_285 = arith.constant 512 : index
    %swap3A_286 = vector.load %arg2[%swap3A_284, %swap3A_285] : memref<1x2048xi32, #tpu.memory_space<vmem>>, vector<1x256xi32>
    %swap3A_287 = vector.shape_cast %swap3A_286 : vector<1x256xi32> to vector<256xi32>
    %swap3A_288 = vector.shape_cast %reduce_sum3A_283 : vector<256xi32> to vector<1x256xi32>
    tpu.vector_store %arg2[%swap3A_284, %swap3A_285], %swap3A_288 {strides = array<i32>} : memref<1x2048xi32, #tpu.memory_space<vmem>>, vector<1x256xi32>,
    %iota3A_289 = tpu.iota {dimensions = array<i32: 0>} : vector<256x2048xi32>
    %add3A_290 = arith.constant 768 : i32
    %add3A_291 = vector.broadcast %add3A_290 : i32 to vector<256x2048xi32>
    %add3A_292 = arith.addi %iota3A_289, %add3A_291 : vector<256x2048xi32>
    %eq3A_293 = vector.broadcast %reshape3A_207 : vector<1x2048xi32> to vector<256x2048xi32>
    %eq3A_294 = arith.cmpi eq, %eq3A_293, %add3A_292 : vector<256x2048xi32>
    %jit3A_295 = arith.constant 0.000000e+00 : f32
    %broadcast_in_dim3A_296 = vector.shape_cast %reshape3A : vector<1x2048xf32> to vector<1x2048xf32>
    %broadcast_in_dim3A_297 = vector.broadcast %broadcast_in_dim3A_296 : vector<1x2048xf32> to vector<256x2048xf32>
    %broadcast_in_dim3A_298 = vector.broadcast %jit3A_295 : f32 to vector<256x2048xf32>
    %select_n3A_299 = arith.select %eq3A_294, %broadcast_in_dim3A_297, %broadcast_in_dim3A_298 : vector<256x2048xi1>, vector<256x2048xf32>
    %reduce_sum3A_300 = arith.constant dense<0.000000e+00> : vector<256xf32>
    %reduce_sum3A_301 = vector.multi_reduction <add>, %select_n3A_299, %reduce_sum3A_300 [1] : vector<256x2048xf32> to vector<256xf32>
    %swap3A_302 = arith.constant 0 : index
    %swap3A_303 = arith.constant 768 : index
    %swap3A_304 = vector.load %arg4[%swap3A_302, %swap3A_303] : memref<1x2048xf32, #tpu.memory_space<vmem>>, vector<1x256xf32>
    %swap3A_305 = vector.shape_cast %swap3A_304 : vector<1x256xf32> to vector<256xf32>
    %swap3A_306 = vector.shape_cast %reduce_sum3A_301 : vector<256xf32> to vector<1x256xf32>
    tpu.vector_store %arg4[%swap3A_302, %swap3A_303], %swap3A_306 {strides = array<i32>} : memref<1x2048xf32, #tpu.memory_space<vmem>>, vector<1x256xf32>,
    %jit3A_307 = arith.constant 0 : i32
    %broadcast_in_dim3A_308 = vector.broadcast %jit3A_307 : i32 to vector<256x2048xi32>
    %select_n3A_309 = arith.select %eq3A_294, %iota3A, %broadcast_in_dim3A_308 : vector<256x2048xi1>, vector<256x2048xi32>
    %reduce_sum3A_310 = arith.constant dense<0> : vector<256xi32>
    %reduce_sum3A_311 = vector.multi_reduction <add>, %select_n3A_309, %reduce_sum3A_310 [1] : vector<256x2048xi32> to vector<256xi32>
    %swap3A_312 = arith.constant 0 : index
    %swap3A_313 = arith.constant 768 : index
    %swap3A_314 = vector.load %arg2[%swap3A_312, %swap3A_313] : memref<1x2048xi32, #tpu.memory_space<vmem>>, vector<1x256xi32>
    %swap3A_315 = vector.shape_cast %swap3A_314 : vector<1x256xi32> to vector<256xi32>
    %swap3A_316 = vector.shape_cast %reduce_sum3A_311 : vector<256xi32> to vector<1x256xi32>
    tpu.vector_store %arg2[%swap3A_312, %swap3A_313], %swap3A_316 {strides = array<i32>} : memref<1x2048xi32, #tpu.memory_space<vmem>>, vector<1x256xi32>,
    %iota3A_317 = tpu.iota {dimensions = array<i32: 0>} : vector<256x2048xi32>
    %add3A_318 = arith.constant 1024 : i32
    %add3A_319 = vector.broadcast %add3A_318 : i32 to vector<256x2048xi32>
    %add3A_320 = arith.addi %iota3A_317, %add3A_319 : vector<256x2048xi32>
    %eq3A_321 = vector.broadcast %reshape3A_207 : vector<1x2048xi32> to vector<256x2048xi32>
    %eq3A_322 = arith.cmpi eq, %eq3A_321, %add3A_320 : vector<256x2048xi32>
    %jit3A_323 = arith.constant 0.000000e+00 : f32
    %broadcast_in_dim3A_324 = vector.shape_cast %reshape3A : vector<1x2048xf32> to vector<1x2048xf32>
    %broadcast_in_dim3A_325 = vector.broadcast %broadcast_in_dim3A_324 : vector<1x2048xf32> to vector<256x2048xf32>
    %broadcast_in_dim3A_326 = vector.broadcast %jit3A_323 : f32 to vector<256x2048xf32>
    %select_n3A_327 = arith.select %eq3A_322, %broadcast_in_dim3A_325, %broadcast_in_dim3A_326 : vector<256x2048xi1>, vector<256x2048xf32>
    %reduce_sum3A_328 = arith.constant dense<0.000000e+00> : vector<256xf32>
    %reduce_sum3A_329 = vector.multi_reduction <add>, %select_n3A_327, %reduce_sum3A_328 [1] : vector<256x2048xf32> to vector<256xf32>
    %swap3A_330 = arith.constant 0 : index
    %swap3A_331 = arith.constant 1024 : index
    %swap3A_332 = vector.load %arg4[%swap3A_330, %swap3A_331] : memref<1x2048xf32, #tpu.memory_space<vmem>>, vector<1x256xf32>
    %swap3A_333 = vector.shape_cast %swap3A_332 : vector<1x256xf32> to vector<256xf32>
    %swap3A_334 = vector.shape_cast %reduce_sum3A_329 : vector<256xf32> to vector<1x256xf32>
    tpu.vector_store %arg4[%swap3A_330, %swap3A_331], %swap3A_334 {strides = array<i32>} : memref<1x2048xf32, #tpu.memory_space<vmem>>, vector<1x256xf32>,
    %jit3A_335 = arith.constant 0 : i32
    %broadcast_in_dim3A_336 = vector.broadcast %jit3A_335 : i32 to vector<256x2048xi32>
    %select_n3A_337 = arith.select %eq3A_322, %iota3A, %broadcast_in_dim3A_336 : vector<256x2048xi1>, vector<256x2048xi32>
    %reduce_sum3A_338 = arith.constant dense<0> : vector<256xi32>
    %reduce_sum3A_339 = vector.multi_reduction <add>, %select_n3A_337, %reduce_sum3A_338 [1] : vector<256x2048xi32> to vector<256xi32>
    %swap3A_340 = arith.constant 0 : index
    %swap3A_341 = arith.constant 1024 : index
    %swap3A_342 = vector.load %arg2[%swap3A_340, %swap3A_341] : memref<1x2048xi32, #tpu.memory_space<vmem>>, vector<1x256xi32>
    %swap3A_343 = vector.shape_cast %swap3A_342 : vector<1x256xi32> to vector<256xi32>
    %swap3A_344 = vector.shape_cast %reduce_sum3A_339 : vector<256xi32> to vector<1x256xi32>
    tpu.vector_store %arg2[%swap3A_340, %swap3A_341], %swap3A_344 {strides = array<i32>} : memref<1x2048xi32, #tpu.memory_space<vmem>>, vector<1x256xi32>,
    %iota3A_345 = tpu.iota {dimensions = array<i32: 0>} : vector<256x2048xi32>
    %add3A_346 = arith.constant 1280 : i32
    %add3A_347 = vector.broadcast %add3A_346 : i32 to vector<256x2048xi32>
    %add3A_348 = arith.addi %iota3A_345, %add3A_347 : vector<256x2048xi32>
    %eq3A_349 = vector.broadcast %reshape3A_207 : vector<1x2048xi32> to vector<256x2048xi32>
    %eq3A_350 = arith.cmpi eq, %eq3A_349, %add3A_348 : vector<256x2048xi32>
    %jit3A_351 = arith.constant 0.000000e+00 : f32
    %broadcast_in_dim3A_352 = vector.shape_cast %reshape3A : vector<1x2048xf32> to vector<1x2048xf32>
    %broadcast_in_dim3A_353 = vector.broadcast %broadcast_in_dim3A_352 : vector<1x2048xf32> to vector<256x2048xf32>
    %broadcast_in_dim3A_354 = vector.broadcast %jit3A_351 : f32 to vector<256x2048xf32>
    %select_n3A_355 = arith.select %eq3A_350, %broadcast_in_dim3A_353, %broadcast_in_dim3A_354 : vector<256x2048xi1>, vector<256x2048xf32>
    %reduce_sum3A_356 = arith.constant dense<0.000000e+00> : vector<256xf32>
    %reduce_sum3A_357 = vector.multi_reduction <add>, %select_n3A_355, %reduce_sum3A_356 [1] : vector<256x2048xf32> to vector<256xf32>
    %swap3A_358 = arith.constant 0 : index
    %swap3A_359 = arith.constant 1280 : index
    %swap3A_360 = vector.load %arg4[%swap3A_358, %swap3A_359] : memref<1x2048xf32, #tpu.memory_space<vmem>>, vector<1x256xf32>
    %swap3A_361 = vector.shape_cast %swap3A_360 : vector<1x256xf32> to vector<256xf32>
    %swap3A_362 = vector.shape_cast %reduce_sum3A_357 : vector<256xf32> to vector<1x256xf32>
    tpu.vector_store %arg4[%swap3A_358, %swap3A_359], %swap3A_362 {strides = array<i32>} : memref<1x2048xf32, #tpu.memory_space<vmem>>, vector<1x256xf32>,
    %jit3A_363 = arith.constant 0 : i32
    %broadcast_in_dim3A_364 = vector.broadcast %jit3A_363 : i32 to vector<256x2048xi32>
    %select_n3A_365 = arith.select %eq3A_350, %iota3A, %broadcast_in_dim3A_364 : vector<256x2048xi1>, vector<256x2048xi32>
    %reduce_sum3A_366 = arith.constant dense<0> : vector<256xi32>
    %reduce_sum3A_367 = vector.multi_reduction <add>, %select_n3A_365, %reduce_sum3A_366 [1] : vector<256x2048xi32> to vector<256xi32>
    %swap3A_368 = arith.constant 0 : index
    %swap3A_369 = arith.constant 1280 : index
    %swap3A_370 = vector.load %arg2[%swap3A_368, %swap3A_369] : memref<1x2048xi32, #tpu.memory_space<vmem>>, vector<1x256xi32>
    %swap3A_371 = vector.shape_cast %swap3A_370 : vector<1x256xi32> to vector<256xi32>
    %swap3A_372 = vector.shape_cast %reduce_sum3A_367 : vector<256xi32> to vector<1x256xi32>
    tpu.vector_store %arg2[%swap3A_368, %swap3A_369], %swap3A_372 {strides = array<i32>} : memref<1x2048xi32, #tpu.memory_space<vmem>>, vector<1x256xi32>,
    %iota3A_373 = tpu.iota {dimensions = array<i32: 0>} : vector<256x2048xi32>
    %add3A_374 = arith.constant 1536 : i32
    %add3A_375 = vector.broadcast %add3A_374 : i32 to vector<256x2048xi32>
    %add3A_376 = arith.addi %iota3A_373, %add3A_375 : vector<256x2048xi32>
    %eq3A_377 = vector.broadcast %reshape3A_207 : vector<1x2048xi32> to vector<256x2048xi32>
    %eq3A_378 = arith.cmpi eq, %eq3A_377, %add3A_376 : vector<256x2048xi32>
    %jit3A_379 = arith.constant 0.000000e+00 : f32
    %broadcast_in_dim3A_380 = vector.shape_cast %reshape3A : vector<1x2048xf32> to vector<1x2048xf32>
    %broadcast_in_dim3A_381 = vector.broadcast %broadcast_in_dim3A_380 : vector<1x2048xf32> to vector<256x2048xf32>
    %broadcast_in_dim3A_382 = vector.broadcast %jit3A_379 : f32 to vector<256x2048xf32>
    %select_n3A_383 = arith.select %eq3A_378, %broadcast_in_dim3A_381, %broadcast_in_dim3A_382 : vector<256x2048xi1>, vector<256x2048xf32>
    %reduce_sum3A_384 = arith.constant dense<0.000000e+00> : vector<256xf32>
    %reduce_sum3A_385 = vector.multi_reduction <add>, %select_n3A_383, %reduce_sum3A_384 [1] : vector<256x2048xf32> to vector<256xf32>
    %swap3A_386 = arith.constant 0 : index
    %swap3A_387 = arith.constant 1536 : index
    %swap3A_388 = vector.load %arg4[%swap3A_386, %swap3A_387] : memref<1x2048xf32, #tpu.memory_space<vmem>>, vector<1x256xf32>
    %swap3A_389 = vector.shape_cast %swap3A_388 : vector<1x256xf32> to vector<256xf32>
    %swap3A_390 = vector.shape_cast %reduce_sum3A_385 : vector<256xf32> to vector<1x256xf32>
    tpu.vector_store %arg4[%swap3A_386, %swap3A_387], %swap3A_390 {strides = array<i32>} : memref<1x2048xf32, #tpu.memory_space<vmem>>, vector<1x256xf32>,
    %jit3A_391 = arith.constant 0 : i32
    %broadcast_in_dim3A_392 = vector.broadcast %jit3A_391 : i32 to vector<256x2048xi32>
    %select_n3A_393 = arith.select %eq3A_378, %iota3A, %broadcast_in_dim3A_392 : vector<256x2048xi1>, vector<256x2048xi32>
    %reduce_sum3A_394 = arith.constant dense<0> : vector<256xi32>
    %reduce_sum3A_395 = vector.multi_reduction <add>, %select_n3A_393, %reduce_sum3A_394 [1] : vector<256x2048xi32> to vector<256xi32>
    %swap3A_396 = arith.constant 0 : index
    %swap3A_397 = arith.constant 1536 : index
    %swap3A_398 = vector.load %arg2[%swap3A_396, %swap3A_397] : memref<1x2048xi32, #tpu.memory_space<vmem>>, vector<1x256xi32>
    %swap3A_399 = vector.shape_cast %swap3A_398 : vector<1x256xi32> to vector<256xi32>
    %swap3A_400 = vector.shape_cast %reduce_sum3A_395 : vector<256xi32> to vector<1x256xi32>
    tpu.vector_store %arg2[%swap3A_396, %swap3A_397], %swap3A_400 {strides = array<i32>} : memref<1x2048xi32, #tpu.memory_space<vmem>>, vector<1x256xi32>,
    %iota3A_401 = tpu.iota {dimensions = array<i32: 0>} : vector<256x2048xi32>
    %add3A_402 = arith.constant 1792 : i32
    %add3A_403 = vector.broadcast %add3A_402 : i32 to vector<256x2048xi32>
    %add3A_404 = arith.addi %iota3A_401, %add3A_403 : vector<256x2048xi32>
    %eq3A_405 = vector.broadcast %reshape3A_207 : vector<1x2048xi32> to vector<256x2048xi32>
    %eq3A_406 = arith.cmpi eq, %eq3A_405, %add3A_404 : vector<256x2048xi32>
    %jit3A_407 = arith.constant 0.000000e+00 : f32
    %broadcast_in_dim3A_408 = vector.shape_cast %reshape3A : vector<1x2048xf32> to vector<1x2048xf32>
    %broadcast_in_dim3A_409 = vector.broadcast %broadcast_in_dim3A_408 : vector<1x2048xf32> to vector<256x2048xf32>
    %broadcast_in_dim3A_410 = vector.broadcast %jit3A_407 : f32 to vector<256x2048xf32>
    %select_n3A_411 = arith.select %eq3A_406, %broadcast_in_dim3A_409, %broadcast_in_dim3A_410 : vector<256x2048xi1>, vector<256x2048xf32>
    %reduce_sum3A_412 = arith.constant dense<0.000000e+00> : vector<256xf32>
    %reduce_sum3A_413 = vector.multi_reduction <add>, %select_n3A_411, %reduce_sum3A_412 [1] : vector<256x2048xf32> to vector<256xf32>
    %swap3A_414 = arith.constant 0 : index
    %swap3A_415 = arith.constant 1792 : index
    %swap3A_416 = vector.load %arg4[%swap3A_414, %swap3A_415] : memref<1x2048xf32, #tpu.memory_space<vmem>>, vector<1x256xf32>
    %swap3A_417 = vector.shape_cast %swap3A_416 : vector<1x256xf32> to vector<256xf32>
    %swap3A_418 = vector.shape_cast %reduce_sum3A_413 : vector<256xf32> to vector<1x256xf32>
    tpu.vector_store %arg4[%swap3A_414, %swap3A_415], %swap3A_418 {strides = array<i32>} : memref<1x2048xf32, #tpu.memory_space<vmem>>, vector<1x256xf32>,
    %jit3A_419 = arith.constant 0 : i32
    %broadcast_in_dim3A_420 = vector.broadcast %jit3A_419 : i32 to vector<256x2048xi32>
    %select_n3A_421 = arith.select %eq3A_406, %iota3A, %broadcast_in_dim3A_420 : vector<256x2048xi1>, vector<256x2048xi32>
    %reduce_sum3A_422 = arith.constant dense<0> : vector<256xi32>
    %reduce_sum3A_423 = vector.multi_reduction <add>, %select_n3A_421, %reduce_sum3A_422 [1] : vector<256x2048xi32> to vector<256xi32>
    %swap3A_424 = arith.constant 0 : index
    %swap3A_425 = arith.constant 1792 : index
    %swap3A_426 = vector.load %arg2[%swap3A_424, %swap3A_425] : memref<1x2048xi32, #tpu.memory_space<vmem>>, vector<1x256xi32>
    %swap3A_427 = vector.shape_cast %swap3A_426 : vector<1x256xi32> to vector<256xi32>
    %swap3A_428 = vector.shape_cast %reduce_sum3A_423 : vector<256xi32> to vector<1x256xi32>
    tpu.vector_store %arg2[%swap3A_424, %swap3A_425], %swap3A_428 {strides = array<i32>} : memref<1x2048xi32, #tpu.memory_space<vmem>>, vector<1x256xi32>,
    %get3A_429 = arith.constant 0 : index
    %get3A_430 = arith.constant 0 : index
    %get3A_431 = vector.load %arg4[%get3A_429, %get3A_430] : memref<1x2048xf32, #tpu.memory_space<vmem>>, vector<1x2048xf32>
    %slice3A = vector.extract_strided_slice %get3A_431 {offsets = [0, 0], sizes = [1, 1], strides = [1, 1]} : vector<1x2048xf32> to vector<1x1xf32>
    %broadcast_in_dim3A_432 = vector.shape_cast %slice3A : vector<1x1xf32> to vector<1x1xf32>
    %broadcast_in_dim3A_433 = vector.broadcast %broadcast_in_dim3A_432 : vector<1x1xf32> to vector<1x31xf32>
    %slice3A_434 = vector.extract_strided_slice %get3A_431 {offsets = [0, 0], sizes = [1, 2017], strides = [1, 1]} : vector<1x2048xf32> to vector<1x2017xf32>
    %slice3A_435 = vector.extract_strided_slice %get3A_431 {offsets = [0, 2016], sizes = [1, 1], strides = [1, 1]} : vector<1x2048xf32> to vector<1x1xf32>
    %broadcast_in_dim3A_436 = vector.shape_cast %slice3A_435 : vector<1x1xf32> to vector<1x1xf32>
    %broadcast_in_dim3A_437 = vector.broadcast %broadcast_in_dim3A_436 : vector<1x1xf32> to vector<1x31xf32>
    %concatenate3A = tpu.concatenate %broadcast_in_dim3A_433, %slice3A_434, %broadcast_in_dim3A_437 in 1 : vector<1x31xf32>, vector<1x2017xf32>, vector<1x31xf32> -> vector<1x2079xf32>
    %slice3A_438 = vector.extract_strided_slice %get3A_431 {offsets = [0, 31], sizes = [1, 1], strides = [1, 1]} : vector<1x2048xf32> to vector<1x1xf32>
    %broadcast_in_dim3A_439 = vector.shape_cast %slice3A_438 : vector<1x1xf32> to vector<1x1xf32>
    %broadcast_in_dim3A_440 = vector.broadcast %broadcast_in_dim3A_439 : vector<1x1xf32> to vector<1x31xf32>
    %slice3A_441 = vector.extract_strided_slice %get3A_431 {offsets = [0, 31], sizes = [1, 2017], strides = [1, 1]} : vector<1x2048xf32> to vector<1x2017xf32>
    %slice3A_442 = vector.extract_strided_slice %get3A_431 {offsets = [0, 2047], sizes = [1, 1], strides = [1, 1]} : vector<1x2048xf32> to vector<1x1xf32>
    %broadcast_in_dim3A_443 = vector.shape_cast %slice3A_442 : vector<1x1xf32> to vector<1x1xf32>
    %broadcast_in_dim3A_444 = vector.broadcast %broadcast_in_dim3A_443 : vector<1x1xf32> to vector<1x31xf32>
    %concatenate3A_445 = tpu.concatenate %broadcast_in_dim3A_440, %slice3A_441, %broadcast_in_dim3A_444 in 1 : vector<1x31xf32>, vector<1x2017xf32>, vector<1x31xf32> -> vector<1x2079xf32>
    %broadcast_in_dim3A_446 = arith.constant 0x7F800000 : f32
    %broadcast_in_dim3A_447 = vector.broadcast %broadcast_in_dim3A_446 : f32 to vector<1x2048xf32>
    %broadcast_in_dim3A_448 = arith.constant 0 : i32
    %broadcast_in_dim3A_449 = vector.broadcast %broadcast_in_dim3A_448 : i32 to vector<1x2048xi32>
    %slice3A_450 = vector.extract_strided_slice %concatenate3A {offsets = [0, 0], sizes = [1, 2048], strides = [1, 1]} : vector<1x2079xf32> to vector<1x2048xf32>
    %slice3A_451 = vector.extract_strided_slice %concatenate3A_445 {offsets = [0, 0], sizes = [1, 2048], strides = [1, 1]} : vector<1x2079xf32> to vector<1x2048xf32>
    %sub3A = arith.subf %get3A_431, %slice3A_450 : vector<1x2048xf32>
    %sub3A_452 = arith.subf %slice3A_451, %get3A_431 : vector<1x2048xf32>
    %max3A = arith.maximumf %sub3A, %sub3A_452 : vector<1x2048xf32>
    %lt3A_453 = arith.cmpf olt, %max3A, %broadcast_in_dim3A_447 : vector<1x2048xf32>
    %select_n3A_454 = arith.select %lt3A_453, %max3A, %broadcast_in_dim3A_447 : vector<1x2048xi1>, vector<1x2048xf32>
    %jit3A_455 = arith.constant 0 : i32
    %broadcast_in_dim3A_456 = vector.broadcast %jit3A_455 : i32 to vector<1x2048xi32>
    %select_n3A_457 = arith.select %lt3A_453, %broadcast_in_dim3A_456, %broadcast_in_dim3A_449 : vector<1x2048xi1>, vector<1x2048xi32>
    %slice3A_458 = vector.extract_strided_slice %concatenate3A {offsets = [0, 1], sizes = [1, 2048], strides = [1, 1]} : vector<1x2079xf32> to vector<1x2048xf32>
    %slice3A_459 = vector.extract_strided_slice %concatenate3A_445 {offsets = [0, 1], sizes = [1, 2048], strides = [1, 1]} : vector<1x2079xf32> to vector<1x2048xf32>
    %sub3A_460 = arith.subf %get3A_431, %slice3A_458 : vector<1x2048xf32>
    %sub3A_461 = arith.subf %slice3A_459, %get3A_431 : vector<1x2048xf32>
    %max3A_462 = arith.maximumf %sub3A_460, %sub3A_461 : vector<1x2048xf32>
    %lt3A_463 = arith.cmpf olt, %max3A_462, %select_n3A_454 : vector<1x2048xf32>
    %select_n3A_464 = arith.select %lt3A_463, %max3A_462, %select_n3A_454 : vector<1x2048xi1>, vector<1x2048xf32>
    %jit3A_465 = arith.constant 1 : i32
    %broadcast_in_dim3A_466 = vector.broadcast %jit3A_465 : i32 to vector<1x2048xi32>
    %select_n3A_467 = arith.select %lt3A_463, %broadcast_in_dim3A_466, %select_n3A_457 : vector<1x2048xi1>, vector<1x2048xi32>
    %slice3A_468 = vector.extract_strided_slice %concatenate3A {offsets = [0, 2], sizes = [1, 2048], strides = [1, 1]} : vector<1x2079xf32> to vector<1x2048xf32>
    %slice3A_469 = vector.extract_strided_slice %concatenate3A_445 {offsets = [0, 2], sizes = [1, 2048], strides = [1, 1]} : vector<1x2079xf32> to vector<1x2048xf32>
    %sub3A_470 = arith.subf %get3A_431, %slice3A_468 : vector<1x2048xf32>
    %sub3A_471 = arith.subf %slice3A_469, %get3A_431 : vector<1x2048xf32>
    %max3A_472 = arith.maximumf %sub3A_470, %sub3A_471 : vector<1x2048xf32>
    %lt3A_473 = arith.cmpf olt, %max3A_472, %select_n3A_464 : vector<1x2048xf32>
    %select_n3A_474 = arith.select %lt3A_473, %max3A_472, %select_n3A_464 : vector<1x2048xi1>, vector<1x2048xf32>
    %jit3A_475 = arith.constant 2 : i32
    %broadcast_in_dim3A_476 = vector.broadcast %jit3A_475 : i32 to vector<1x2048xi32>
    %select_n3A_477 = arith.select %lt3A_473, %broadcast_in_dim3A_476, %select_n3A_467 : vector<1x2048xi1>, vector<1x2048xi32>
    %slice3A_478 = vector.extract_strided_slice %concatenate3A {offsets = [0, 3], sizes = [1, 2048], strides = [1, 1]} : vector<1x2079xf32> to vector<1x2048xf32>
    %slice3A_479 = vector.extract_strided_slice %concatenate3A_445 {offsets = [0, 3], sizes = [1, 2048], strides = [1, 1]} : vector<1x2079xf32> to vector<1x2048xf32>
    %sub3A_480 = arith.subf %get3A_431, %slice3A_478 : vector<1x2048xf32>
    %sub3A_481 = arith.subf %slice3A_479, %get3A_431 : vector<1x2048xf32>
    %max3A_482 = arith.maximumf %sub3A_480, %sub3A_481 : vector<1x2048xf32>
    %lt3A_483 = arith.cmpf olt, %max3A_482, %select_n3A_474 : vector<1x2048xf32>
    %select_n3A_484 = arith.select %lt3A_483, %max3A_482, %select_n3A_474 : vector<1x2048xi1>, vector<1x2048xf32>
    %jit3A_485 = arith.constant 3 : i32
    %broadcast_in_dim3A_486 = vector.broadcast %jit3A_485 : i32 to vector<1x2048xi32>
    %select_n3A_487 = arith.select %lt3A_483, %broadcast_in_dim3A_486, %select_n3A_477 : vector<1x2048xi1>, vector<1x2048xi32>
    %slice3A_488 = vector.extract_strided_slice %concatenate3A {offsets = [0, 4], sizes = [1, 2048], strides = [1, 1]} : vector<1x2079xf32> to vector<1x2048xf32>
    %slice3A_489 = vector.extract_strided_slice %concatenate3A_445 {offsets = [0, 4], sizes = [1, 2048], strides = [1, 1]} : vector<1x2079xf32> to vector<1x2048xf32>
    %sub3A_490 = arith.subf %get3A_431, %slice3A_488 : vector<1x2048xf32>
    %sub3A_491 = arith.subf %slice3A_489, %get3A_431 : vector<1x2048xf32>
    %max3A_492 = arith.maximumf %sub3A_490, %sub3A_491 : vector<1x2048xf32>
    %lt3A_493 = arith.cmpf olt, %max3A_492, %select_n3A_484 : vector<1x2048xf32>
    %select_n3A_494 = arith.select %lt3A_493, %max3A_492, %select_n3A_484 : vector<1x2048xi1>, vector<1x2048xf32>
    %jit3A_495 = arith.constant 4 : i32
    %broadcast_in_dim3A_496 = vector.broadcast %jit3A_495 : i32 to vector<1x2048xi32>
    %select_n3A_497 = arith.select %lt3A_493, %broadcast_in_dim3A_496, %select_n3A_487 : vector<1x2048xi1>, vector<1x2048xi32>
    %slice3A_498 = vector.extract_strided_slice %concatenate3A {offsets = [0, 5], sizes = [1, 2048], strides = [1, 1]} : vector<1x2079xf32> to vector<1x2048xf32>
    %slice3A_499 = vector.extract_strided_slice %concatenate3A_445 {offsets = [0, 5], sizes = [1, 2048], strides = [1, 1]} : vector<1x2079xf32> to vector<1x2048xf32>
    %sub3A_500 = arith.subf %get3A_431, %slice3A_498 : vector<1x2048xf32>
    %sub3A_501 = arith.subf %slice3A_499, %get3A_431 : vector<1x2048xf32>
    %max3A_502 = arith.maximumf %sub3A_500, %sub3A_501 : vector<1x2048xf32>
    %lt3A_503 = arith.cmpf olt, %max3A_502, %select_n3A_494 : vector<1x2048xf32>
    %select_n3A_504 = arith.select %lt3A_503, %max3A_502, %select_n3A_494 : vector<1x2048xi1>, vector<1x2048xf32>
    %jit3A_505 = arith.constant 5 : i32
    %broadcast_in_dim3A_506 = vector.broadcast %jit3A_505 : i32 to vector<1x2048xi32>
    %select_n3A_507 = arith.select %lt3A_503, %broadcast_in_dim3A_506, %select_n3A_497 : vector<1x2048xi1>, vector<1x2048xi32>
    %slice3A_508 = vector.extract_strided_slice %concatenate3A {offsets = [0, 6], sizes = [1, 2048], strides = [1, 1]} : vector<1x2079xf32> to vector<1x2048xf32>
    %slice3A_509 = vector.extract_strided_slice %concatenate3A_445 {offsets = [0, 6], sizes = [1, 2048], strides = [1, 1]} : vector<1x2079xf32> to vector<1x2048xf32>
    %sub3A_510 = arith.subf %get3A_431, %slice3A_508 : vector<1x2048xf32>
    %sub3A_511 = arith.subf %slice3A_509, %get3A_431 : vector<1x2048xf32>
    %max3A_512 = arith.maximumf %sub3A_510, %sub3A_511 : vector<1x2048xf32>
    %lt3A_513 = arith.cmpf olt, %max3A_512, %select_n3A_504 : vector<1x2048xf32>
    %select_n3A_514 = arith.select %lt3A_513, %max3A_512, %select_n3A_504 : vector<1x2048xi1>, vector<1x2048xf32>
    %jit3A_515 = arith.constant 6 : i32
    %broadcast_in_dim3A_516 = vector.broadcast %jit3A_515 : i32 to vector<1x2048xi32>
    %select_n3A_517 = arith.select %lt3A_513, %broadcast_in_dim3A_516, %select_n3A_507 : vector<1x2048xi1>, vector<1x2048xi32>
    %slice3A_518 = vector.extract_strided_slice %concatenate3A {offsets = [0, 7], sizes = [1, 2048], strides = [1, 1]} : vector<1x2079xf32> to vector<1x2048xf32>
    %slice3A_519 = vector.extract_strided_slice %concatenate3A_445 {offsets = [0, 7], sizes = [1, 2048], strides = [1, 1]} : vector<1x2079xf32> to vector<1x2048xf32>
    %sub3A_520 = arith.subf %get3A_431, %slice3A_518 : vector<1x2048xf32>
    %sub3A_521 = arith.subf %slice3A_519, %get3A_431 : vector<1x2048xf32>
    %max3A_522 = arith.maximumf %sub3A_520, %sub3A_521 : vector<1x2048xf32>
    %lt3A_523 = arith.cmpf olt, %max3A_522, %select_n3A_514 : vector<1x2048xf32>
    %select_n3A_524 = arith.select %lt3A_523, %max3A_522, %select_n3A_514 : vector<1x2048xi1>, vector<1x2048xf32>
    %jit3A_525 = arith.constant 7 : i32
    %broadcast_in_dim3A_526 = vector.broadcast %jit3A_525 : i32 to vector<1x2048xi32>
    %select_n3A_527 = arith.select %lt3A_523, %broadcast_in_dim3A_526, %select_n3A_517 : vector<1x2048xi1>, vector<1x2048xi32>
    %slice3A_528 = vector.extract_strided_slice %concatenate3A {offsets = [0, 8], sizes = [1, 2048], strides = [1, 1]} : vector<1x2079xf32> to vector<1x2048xf32>
    %slice3A_529 = vector.extract_strided_slice %concatenate3A_445 {offsets = [0, 8], sizes = [1, 2048], strides = [1, 1]} : vector<1x2079xf32> to vector<1x2048xf32>
    %sub3A_530 = arith.subf %get3A_431, %slice3A_528 : vector<1x2048xf32>
    %sub3A_531 = arith.subf %slice3A_529, %get3A_431 : vector<1x2048xf32>
    %max3A_532 = arith.maximumf %sub3A_530, %sub3A_531 : vector<1x2048xf32>
    %lt3A_533 = arith.cmpf olt, %max3A_532, %select_n3A_524 : vector<1x2048xf32>
    %select_n3A_534 = arith.select %lt3A_533, %max3A_532, %select_n3A_524 : vector<1x2048xi1>, vector<1x2048xf32>
    %jit3A_535 = arith.constant 8 : i32
    %broadcast_in_dim3A_536 = vector.broadcast %jit3A_535 : i32 to vector<1x2048xi32>
    %select_n3A_537 = arith.select %lt3A_533, %broadcast_in_dim3A_536, %select_n3A_527 : vector<1x2048xi1>, vector<1x2048xi32>
    %slice3A_538 = vector.extract_strided_slice %concatenate3A {offsets = [0, 9], sizes = [1, 2048], strides = [1, 1]} : vector<1x2079xf32> to vector<1x2048xf32>
    %slice3A_539 = vector.extract_strided_slice %concatenate3A_445 {offsets = [0, 9], sizes = [1, 2048], strides = [1, 1]} : vector<1x2079xf32> to vector<1x2048xf32>
    %sub3A_540 = arith.subf %get3A_431, %slice3A_538 : vector<1x2048xf32>
    %sub3A_541 = arith.subf %slice3A_539, %get3A_431 : vector<1x2048xf32>
    %max3A_542 = arith.maximumf %sub3A_540, %sub3A_541 : vector<1x2048xf32>
    %lt3A_543 = arith.cmpf olt, %max3A_542, %select_n3A_534 : vector<1x2048xf32>
    %select_n3A_544 = arith.select %lt3A_543, %max3A_542, %select_n3A_534 : vector<1x2048xi1>, vector<1x2048xf32>
    %jit3A_545 = arith.constant 9 : i32
    %broadcast_in_dim3A_546 = vector.broadcast %jit3A_545 : i32 to vector<1x2048xi32>
    %select_n3A_547 = arith.select %lt3A_543, %broadcast_in_dim3A_546, %select_n3A_537 : vector<1x2048xi1>, vector<1x2048xi32>
    %slice3A_548 = vector.extract_strided_slice %concatenate3A {offsets = [0, 10], sizes = [1, 2048], strides = [1, 1]} : vector<1x2079xf32> to vector<1x2048xf32>
    %slice3A_549 = vector.extract_strided_slice %concatenate3A_445 {offsets = [0, 10], sizes = [1, 2048], strides = [1, 1]} : vector<1x2079xf32> to vector<1x2048xf32>
    %sub3A_550 = arith.subf %get3A_431, %slice3A_548 : vector<1x2048xf32>
    %sub3A_551 = arith.subf %slice3A_549, %get3A_431 : vector<1x2048xf32>
    %max3A_552 = arith.maximumf %sub3A_550, %sub3A_551 : vector<1x2048xf32>
    %lt3A_553 = arith.cmpf olt, %max3A_552, %select_n3A_544 : vector<1x2048xf32>
    %select_n3A_554 = arith.select %lt3A_553, %max3A_552, %select_n3A_544 : vector<1x2048xi1>, vector<1x2048xf32>
    %jit3A_555 = arith.constant 10 : i32
    %broadcast_in_dim3A_556 = vector.broadcast %jit3A_555 : i32 to vector<1x2048xi32>
    %select_n3A_557 = arith.select %lt3A_553, %broadcast_in_dim3A_556, %select_n3A_547 : vector<1x2048xi1>, vector<1x2048xi32>
    %slice3A_558 = vector.extract_strided_slice %concatenate3A {offsets = [0, 11], sizes = [1, 2048], strides = [1, 1]} : vector<1x2079xf32> to vector<1x2048xf32>
    %slice3A_559 = vector.extract_strided_slice %concatenate3A_445 {offsets = [0, 11], sizes = [1, 2048], strides = [1, 1]} : vector<1x2079xf32> to vector<1x2048xf32>
    %sub3A_560 = arith.subf %get3A_431, %slice3A_558 : vector<1x2048xf32>
    %sub3A_561 = arith.subf %slice3A_559, %get3A_431 : vector<1x2048xf32>
    %max3A_562 = arith.maximumf %sub3A_560, %sub3A_561 : vector<1x2048xf32>
    %lt3A_563 = arith.cmpf olt, %max3A_562, %select_n3A_554 : vector<1x2048xf32>
    %select_n3A_564 = arith.select %lt3A_563, %max3A_562, %select_n3A_554 : vector<1x2048xi1>, vector<1x2048xf32>
    %jit3A_565 = arith.constant 11 : i32
    %broadcast_in_dim3A_566 = vector.broadcast %jit3A_565 : i32 to vector<1x2048xi32>
    %select_n3A_567 = arith.select %lt3A_563, %broadcast_in_dim3A_566, %select_n3A_557 : vector<1x2048xi1>, vector<1x2048xi32>
    %slice3A_568 = vector.extract_strided_slice %concatenate3A {offsets = [0, 12], sizes = [1, 2048], strides = [1, 1]} : vector<1x2079xf32> to vector<1x2048xf32>
    %slice3A_569 = vector.extract_strided_slice %concatenate3A_445 {offsets = [0, 12], sizes = [1, 2048], strides = [1, 1]} : vector<1x2079xf32> to vector<1x2048xf32>
    %sub3A_570 = arith.subf %get3A_431, %slice3A_568 : vector<1x2048xf32>
    %sub3A_571 = arith.subf %slice3A_569, %get3A_431 : vector<1x2048xf32>
    %max3A_572 = arith.maximumf %sub3A_570, %sub3A_571 : vector<1x2048xf32>
    %lt3A_573 = arith.cmpf olt, %max3A_572, %select_n3A_564 : vector<1x2048xf32>
    %select_n3A_574 = arith.select %lt3A_573, %max3A_572, %select_n3A_564 : vector<1x2048xi1>, vector<1x2048xf32>
    %jit3A_575 = arith.constant 12 : i32
    %broadcast_in_dim3A_576 = vector.broadcast %jit3A_575 : i32 to vector<1x2048xi32>
    %select_n3A_577 = arith.select %lt3A_573, %broadcast_in_dim3A_576, %select_n3A_567 : vector<1x2048xi1>, vector<1x2048xi32>
    %slice3A_578 = vector.extract_strided_slice %concatenate3A {offsets = [0, 13], sizes = [1, 2048], strides = [1, 1]} : vector<1x2079xf32> to vector<1x2048xf32>
    %slice3A_579 = vector.extract_strided_slice %concatenate3A_445 {offsets = [0, 13], sizes = [1, 2048], strides = [1, 1]} : vector<1x2079xf32> to vector<1x2048xf32>
    %sub3A_580 = arith.subf %get3A_431, %slice3A_578 : vector<1x2048xf32>
    %sub3A_581 = arith.subf %slice3A_579, %get3A_431 : vector<1x2048xf32>
    %max3A_582 = arith.maximumf %sub3A_580, %sub3A_581 : vector<1x2048xf32>
    %lt3A_583 = arith.cmpf olt, %max3A_582, %select_n3A_574 : vector<1x2048xf32>
    %select_n3A_584 = arith.select %lt3A_583, %max3A_582, %select_n3A_574 : vector<1x2048xi1>, vector<1x2048xf32>
    %jit3A_585 = arith.constant 13 : i32
    %broadcast_in_dim3A_586 = vector.broadcast %jit3A_585 : i32 to vector<1x2048xi32>
    %select_n3A_587 = arith.select %lt3A_583, %broadcast_in_dim3A_586, %select_n3A_577 : vector<1x2048xi1>, vector<1x2048xi32>
    %slice3A_588 = vector.extract_strided_slice %concatenate3A {offsets = [0, 14], sizes = [1, 2048], strides = [1, 1]} : vector<1x2079xf32> to vector<1x2048xf32>
    %slice3A_589 = vector.extract_strided_slice %concatenate3A_445 {offsets = [0, 14], sizes = [1, 2048], strides = [1, 1]} : vector<1x2079xf32> to vector<1x2048xf32>
    %sub3A_590 = arith.subf %get3A_431, %slice3A_588 : vector<1x2048xf32>
    %sub3A_591 = arith.subf %slice3A_589, %get3A_431 : vector<1x2048xf32>
    %max3A_592 = arith.maximumf %sub3A_590, %sub3A_591 : vector<1x2048xf32>
    %lt3A_593 = arith.cmpf olt, %max3A_592, %select_n3A_584 : vector<1x2048xf32>
    %select_n3A_594 = arith.select %lt3A_593, %max3A_592, %select_n3A_584 : vector<1x2048xi1>, vector<1x2048xf32>
    %jit3A_595 = arith.constant 14 : i32
    %broadcast_in_dim3A_596 = vector.broadcast %jit3A_595 : i32 to vector<1x2048xi32>
    %select_n3A_597 = arith.select %lt3A_593, %broadcast_in_dim3A_596, %select_n3A_587 : vector<1x2048xi1>, vector<1x2048xi32>
    %slice3A_598 = vector.extract_strided_slice %concatenate3A {offsets = [0, 15], sizes = [1, 2048], strides = [1, 1]} : vector<1x2079xf32> to vector<1x2048xf32>
    %slice3A_599 = vector.extract_strided_slice %concatenate3A_445 {offsets = [0, 15], sizes = [1, 2048], strides = [1, 1]} : vector<1x2079xf32> to vector<1x2048xf32>
    %sub3A_600 = arith.subf %get3A_431, %slice3A_598 : vector<1x2048xf32>
    %sub3A_601 = arith.subf %slice3A_599, %get3A_431 : vector<1x2048xf32>
    %max3A_602 = arith.maximumf %sub3A_600, %sub3A_601 : vector<1x2048xf32>
    %lt3A_603 = arith.cmpf olt, %max3A_602, %select_n3A_594 : vector<1x2048xf32>
    %select_n3A_604 = arith.select %lt3A_603, %max3A_602, %select_n3A_594 : vector<1x2048xi1>, vector<1x2048xf32>
    %jit3A_605 = arith.constant 15 : i32
    %broadcast_in_dim3A_606 = vector.broadcast %jit3A_605 : i32 to vector<1x2048xi32>
    %select_n3A_607 = arith.select %lt3A_603, %broadcast_in_dim3A_606, %select_n3A_597 : vector<1x2048xi1>, vector<1x2048xi32>
    %slice3A_608 = vector.extract_strided_slice %concatenate3A {offsets = [0, 16], sizes = [1, 2048], strides = [1, 1]} : vector<1x2079xf32> to vector<1x2048xf32>
    %slice3A_609 = vector.extract_strided_slice %concatenate3A_445 {offsets = [0, 16], sizes = [1, 2048], strides = [1, 1]} : vector<1x2079xf32> to vector<1x2048xf32>
    %sub3A_610 = arith.subf %get3A_431, %slice3A_608 : vector<1x2048xf32>
    %sub3A_611 = arith.subf %slice3A_609, %get3A_431 : vector<1x2048xf32>
    %max3A_612 = arith.maximumf %sub3A_610, %sub3A_611 : vector<1x2048xf32>
    %lt3A_613 = arith.cmpf olt, %max3A_612, %select_n3A_604 : vector<1x2048xf32>
    %select_n3A_614 = arith.select %lt3A_613, %max3A_612, %select_n3A_604 : vector<1x2048xi1>, vector<1x2048xf32>
    %jit3A_615 = arith.constant 16 : i32
    %broadcast_in_dim3A_616 = vector.broadcast %jit3A_615 : i32 to vector<1x2048xi32>
    %select_n3A_617 = arith.select %lt3A_613, %broadcast_in_dim3A_616, %select_n3A_607 : vector<1x2048xi1>, vector<1x2048xi32>
    %slice3A_618 = vector.extract_strided_slice %concatenate3A {offsets = [0, 17], sizes = [1, 2048], strides = [1, 1]} : vector<1x2079xf32> to vector<1x2048xf32>
    %slice3A_619 = vector.extract_strided_slice %concatenate3A_445 {offsets = [0, 17], sizes = [1, 2048], strides = [1, 1]} : vector<1x2079xf32> to vector<1x2048xf32>
    %sub3A_620 = arith.subf %get3A_431, %slice3A_618 : vector<1x2048xf32>
    %sub3A_621 = arith.subf %slice3A_619, %get3A_431 : vector<1x2048xf32>
    %max3A_622 = arith.maximumf %sub3A_620, %sub3A_621 : vector<1x2048xf32>
    %lt3A_623 = arith.cmpf olt, %max3A_622, %select_n3A_614 : vector<1x2048xf32>
    %select_n3A_624 = arith.select %lt3A_623, %max3A_622, %select_n3A_614 : vector<1x2048xi1>, vector<1x2048xf32>
    %jit3A_625 = arith.constant 17 : i32
    %broadcast_in_dim3A_626 = vector.broadcast %jit3A_625 : i32 to vector<1x2048xi32>
    %select_n3A_627 = arith.select %lt3A_623, %broadcast_in_dim3A_626, %select_n3A_617 : vector<1x2048xi1>, vector<1x2048xi32>
    %slice3A_628 = vector.extract_strided_slice %concatenate3A {offsets = [0, 18], sizes = [1, 2048], strides = [1, 1]} : vector<1x2079xf32> to vector<1x2048xf32>
    %slice3A_629 = vector.extract_strided_slice %concatenate3A_445 {offsets = [0, 18], sizes = [1, 2048], strides = [1, 1]} : vector<1x2079xf32> to vector<1x2048xf32>
    %sub3A_630 = arith.subf %get3A_431, %slice3A_628 : vector<1x2048xf32>
    %sub3A_631 = arith.subf %slice3A_629, %get3A_431 : vector<1x2048xf32>
    %max3A_632 = arith.maximumf %sub3A_630, %sub3A_631 : vector<1x2048xf32>
    %lt3A_633 = arith.cmpf olt, %max3A_632, %select_n3A_624 : vector<1x2048xf32>
    %select_n3A_634 = arith.select %lt3A_633, %max3A_632, %select_n3A_624 : vector<1x2048xi1>, vector<1x2048xf32>
    %jit3A_635 = arith.constant 18 : i32
    %broadcast_in_dim3A_636 = vector.broadcast %jit3A_635 : i32 to vector<1x2048xi32>
    %select_n3A_637 = arith.select %lt3A_633, %broadcast_in_dim3A_636, %select_n3A_627 : vector<1x2048xi1>, vector<1x2048xi32>
    %slice3A_638 = vector.extract_strided_slice %concatenate3A {offsets = [0, 19], sizes = [1, 2048], strides = [1, 1]} : vector<1x2079xf32> to vector<1x2048xf32>
    %slice3A_639 = vector.extract_strided_slice %concatenate3A_445 {offsets = [0, 19], sizes = [1, 2048], strides = [1, 1]} : vector<1x2079xf32> to vector<1x2048xf32>
    %sub3A_640 = arith.subf %get3A_431, %slice3A_638 : vector<1x2048xf32>
    %sub3A_641 = arith.subf %slice3A_639, %get3A_431 : vector<1x2048xf32>
    %max3A_642 = arith.maximumf %sub3A_640, %sub3A_641 : vector<1x2048xf32>
    %lt3A_643 = arith.cmpf olt, %max3A_642, %select_n3A_634 : vector<1x2048xf32>
    %select_n3A_644 = arith.select %lt3A_643, %max3A_642, %select_n3A_634 : vector<1x2048xi1>, vector<1x2048xf32>
    %jit3A_645 = arith.constant 19 : i32
    %broadcast_in_dim3A_646 = vector.broadcast %jit3A_645 : i32 to vector<1x2048xi32>
    %select_n3A_647 = arith.select %lt3A_643, %broadcast_in_dim3A_646, %select_n3A_637 : vector<1x2048xi1>, vector<1x2048xi32>
    %slice3A_648 = vector.extract_strided_slice %concatenate3A {offsets = [0, 20], sizes = [1, 2048], strides = [1, 1]} : vector<1x2079xf32> to vector<1x2048xf32>
    %slice3A_649 = vector.extract_strided_slice %concatenate3A_445 {offsets = [0, 20], sizes = [1, 2048], strides = [1, 1]} : vector<1x2079xf32> to vector<1x2048xf32>
    %sub3A_650 = arith.subf %get3A_431, %slice3A_648 : vector<1x2048xf32>
    %sub3A_651 = arith.subf %slice3A_649, %get3A_431 : vector<1x2048xf32>
    %max3A_652 = arith.maximumf %sub3A_650, %sub3A_651 : vector<1x2048xf32>
    %lt3A_653 = arith.cmpf olt, %max3A_652, %select_n3A_644 : vector<1x2048xf32>
    %select_n3A_654 = arith.select %lt3A_653, %max3A_652, %select_n3A_644 : vector<1x2048xi1>, vector<1x2048xf32>
    %jit3A_655 = arith.constant 20 : i32
    %broadcast_in_dim3A_656 = vector.broadcast %jit3A_655 : i32 to vector<1x2048xi32>
    %select_n3A_657 = arith.select %lt3A_653, %broadcast_in_dim3A_656, %select_n3A_647 : vector<1x2048xi1>, vector<1x2048xi32>
    %slice3A_658 = vector.extract_strided_slice %concatenate3A {offsets = [0, 21], sizes = [1, 2048], strides = [1, 1]} : vector<1x2079xf32> to vector<1x2048xf32>
    %slice3A_659 = vector.extract_strided_slice %concatenate3A_445 {offsets = [0, 21], sizes = [1, 2048], strides = [1, 1]} : vector<1x2079xf32> to vector<1x2048xf32>
    %sub3A_660 = arith.subf %get3A_431, %slice3A_658 : vector<1x2048xf32>
    %sub3A_661 = arith.subf %slice3A_659, %get3A_431 : vector<1x2048xf32>
    %max3A_662 = arith.maximumf %sub3A_660, %sub3A_661 : vector<1x2048xf32>
    %lt3A_663 = arith.cmpf olt, %max3A_662, %select_n3A_654 : vector<1x2048xf32>
    %select_n3A_664 = arith.select %lt3A_663, %max3A_662, %select_n3A_654 : vector<1x2048xi1>, vector<1x2048xf32>
    %jit3A_665 = arith.constant 21 : i32
    %broadcast_in_dim3A_666 = vector.broadcast %jit3A_665 : i32 to vector<1x2048xi32>
    %select_n3A_667 = arith.select %lt3A_663, %broadcast_in_dim3A_666, %select_n3A_657 : vector<1x2048xi1>, vector<1x2048xi32>
    %slice3A_668 = vector.extract_strided_slice %concatenate3A {offsets = [0, 22], sizes = [1, 2048], strides = [1, 1]} : vector<1x2079xf32> to vector<1x2048xf32>
    %slice3A_669 = vector.extract_strided_slice %concatenate3A_445 {offsets = [0, 22], sizes = [1, 2048], strides = [1, 1]} : vector<1x2079xf32> to vector<1x2048xf32>
    %sub3A_670 = arith.subf %get3A_431, %slice3A_668 : vector<1x2048xf32>
    %sub3A_671 = arith.subf %slice3A_669, %get3A_431 : vector<1x2048xf32>
    %max3A_672 = arith.maximumf %sub3A_670, %sub3A_671 : vector<1x2048xf32>
    %lt3A_673 = arith.cmpf olt, %max3A_672, %select_n3A_664 : vector<1x2048xf32>
    %select_n3A_674 = arith.select %lt3A_673, %max3A_672, %select_n3A_664 : vector<1x2048xi1>, vector<1x2048xf32>
    %jit3A_675 = arith.constant 22 : i32
    %broadcast_in_dim3A_676 = vector.broadcast %jit3A_675 : i32 to vector<1x2048xi32>
    %select_n3A_677 = arith.select %lt3A_673, %broadcast_in_dim3A_676, %select_n3A_667 : vector<1x2048xi1>, vector<1x2048xi32>
    %slice3A_678 = vector.extract_strided_slice %concatenate3A {offsets = [0, 23], sizes = [1, 2048], strides = [1, 1]} : vector<1x2079xf32> to vector<1x2048xf32>
    %slice3A_679 = vector.extract_strided_slice %concatenate3A_445 {offsets = [0, 23], sizes = [1, 2048], strides = [1, 1]} : vector<1x2079xf32> to vector<1x2048xf32>
    %sub3A_680 = arith.subf %get3A_431, %slice3A_678 : vector<1x2048xf32>
    %sub3A_681 = arith.subf %slice3A_679, %get3A_431 : vector<1x2048xf32>
    %max3A_682 = arith.maximumf %sub3A_680, %sub3A_681 : vector<1x2048xf32>
    %lt3A_683 = arith.cmpf olt, %max3A_682, %select_n3A_674 : vector<1x2048xf32>
    %select_n3A_684 = arith.select %lt3A_683, %max3A_682, %select_n3A_674 : vector<1x2048xi1>, vector<1x2048xf32>
    %jit3A_685 = arith.constant 23 : i32
    %broadcast_in_dim3A_686 = vector.broadcast %jit3A_685 : i32 to vector<1x2048xi32>
    %select_n3A_687 = arith.select %lt3A_683, %broadcast_in_dim3A_686, %select_n3A_677 : vector<1x2048xi1>, vector<1x2048xi32>
    %slice3A_688 = vector.extract_strided_slice %concatenate3A {offsets = [0, 24], sizes = [1, 2048], strides = [1, 1]} : vector<1x2079xf32> to vector<1x2048xf32>
    %slice3A_689 = vector.extract_strided_slice %concatenate3A_445 {offsets = [0, 24], sizes = [1, 2048], strides = [1, 1]} : vector<1x2079xf32> to vector<1x2048xf32>
    %sub3A_690 = arith.subf %get3A_431, %slice3A_688 : vector<1x2048xf32>
    %sub3A_691 = arith.subf %slice3A_689, %get3A_431 : vector<1x2048xf32>
    %max3A_692 = arith.maximumf %sub3A_690, %sub3A_691 : vector<1x2048xf32>
    %lt3A_693 = arith.cmpf olt, %max3A_692, %select_n3A_684 : vector<1x2048xf32>
    %select_n3A_694 = arith.select %lt3A_693, %max3A_692, %select_n3A_684 : vector<1x2048xi1>, vector<1x2048xf32>
    %jit3A_695 = arith.constant 24 : i32
    %broadcast_in_dim3A_696 = vector.broadcast %jit3A_695 : i32 to vector<1x2048xi32>
    %select_n3A_697 = arith.select %lt3A_693, %broadcast_in_dim3A_696, %select_n3A_687 : vector<1x2048xi1>, vector<1x2048xi32>
    %slice3A_698 = vector.extract_strided_slice %concatenate3A {offsets = [0, 25], sizes = [1, 2048], strides = [1, 1]} : vector<1x2079xf32> to vector<1x2048xf32>
    %slice3A_699 = vector.extract_strided_slice %concatenate3A_445 {offsets = [0, 25], sizes = [1, 2048], strides = [1, 1]} : vector<1x2079xf32> to vector<1x2048xf32>
    %sub3A_700 = arith.subf %get3A_431, %slice3A_698 : vector<1x2048xf32>
    %sub3A_701 = arith.subf %slice3A_699, %get3A_431 : vector<1x2048xf32>
    %max3A_702 = arith.maximumf %sub3A_700, %sub3A_701 : vector<1x2048xf32>
    %lt3A_703 = arith.cmpf olt, %max3A_702, %select_n3A_694 : vector<1x2048xf32>
    %select_n3A_704 = arith.select %lt3A_703, %max3A_702, %select_n3A_694 : vector<1x2048xi1>, vector<1x2048xf32>
    %jit3A_705 = arith.constant 25 : i32
    %broadcast_in_dim3A_706 = vector.broadcast %jit3A_705 : i32 to vector<1x2048xi32>
    %select_n3A_707 = arith.select %lt3A_703, %broadcast_in_dim3A_706, %select_n3A_697 : vector<1x2048xi1>, vector<1x2048xi32>
    %slice3A_708 = vector.extract_strided_slice %concatenate3A {offsets = [0, 26], sizes = [1, 2048], strides = [1, 1]} : vector<1x2079xf32> to vector<1x2048xf32>
    %slice3A_709 = vector.extract_strided_slice %concatenate3A_445 {offsets = [0, 26], sizes = [1, 2048], strides = [1, 1]} : vector<1x2079xf32> to vector<1x2048xf32>
    %sub3A_710 = arith.subf %get3A_431, %slice3A_708 : vector<1x2048xf32>
    %sub3A_711 = arith.subf %slice3A_709, %get3A_431 : vector<1x2048xf32>
    %max3A_712 = arith.maximumf %sub3A_710, %sub3A_711 : vector<1x2048xf32>
    %lt3A_713 = arith.cmpf olt, %max3A_712, %select_n3A_704 : vector<1x2048xf32>
    %select_n3A_714 = arith.select %lt3A_713, %max3A_712, %select_n3A_704 : vector<1x2048xi1>, vector<1x2048xf32>
    %jit3A_715 = arith.constant 26 : i32
    %broadcast_in_dim3A_716 = vector.broadcast %jit3A_715 : i32 to vector<1x2048xi32>
    %select_n3A_717 = arith.select %lt3A_713, %broadcast_in_dim3A_716, %select_n3A_707 : vector<1x2048xi1>, vector<1x2048xi32>
    %slice3A_718 = vector.extract_strided_slice %concatenate3A {offsets = [0, 27], sizes = [1, 2048], strides = [1, 1]} : vector<1x2079xf32> to vector<1x2048xf32>
    %slice3A_719 = vector.extract_strided_slice %concatenate3A_445 {offsets = [0, 27], sizes = [1, 2048], strides = [1, 1]} : vector<1x2079xf32> to vector<1x2048xf32>
    %sub3A_720 = arith.subf %get3A_431, %slice3A_718 : vector<1x2048xf32>
    %sub3A_721 = arith.subf %slice3A_719, %get3A_431 : vector<1x2048xf32>
    %max3A_722 = arith.maximumf %sub3A_720, %sub3A_721 : vector<1x2048xf32>
    %lt3A_723 = arith.cmpf olt, %max3A_722, %select_n3A_714 : vector<1x2048xf32>
    %select_n3A_724 = arith.select %lt3A_723, %max3A_722, %select_n3A_714 : vector<1x2048xi1>, vector<1x2048xf32>
    %jit3A_725 = arith.constant 27 : i32
    %broadcast_in_dim3A_726 = vector.broadcast %jit3A_725 : i32 to vector<1x2048xi32>
    %select_n3A_727 = arith.select %lt3A_723, %broadcast_in_dim3A_726, %select_n3A_717 : vector<1x2048xi1>, vector<1x2048xi32>
    %slice3A_728 = vector.extract_strided_slice %concatenate3A {offsets = [0, 28], sizes = [1, 2048], strides = [1, 1]} : vector<1x2079xf32> to vector<1x2048xf32>
    %slice3A_729 = vector.extract_strided_slice %concatenate3A_445 {offsets = [0, 28], sizes = [1, 2048], strides = [1, 1]} : vector<1x2079xf32> to vector<1x2048xf32>
    %sub3A_730 = arith.subf %get3A_431, %slice3A_728 : vector<1x2048xf32>
    %sub3A_731 = arith.subf %slice3A_729, %get3A_431 : vector<1x2048xf32>
    %max3A_732 = arith.maximumf %sub3A_730, %sub3A_731 : vector<1x2048xf32>
    %lt3A_733 = arith.cmpf olt, %max3A_732, %select_n3A_724 : vector<1x2048xf32>
    %select_n3A_734 = arith.select %lt3A_733, %max3A_732, %select_n3A_724 : vector<1x2048xi1>, vector<1x2048xf32>
    %jit3A_735 = arith.constant 28 : i32
    %broadcast_in_dim3A_736 = vector.broadcast %jit3A_735 : i32 to vector<1x2048xi32>
    %select_n3A_737 = arith.select %lt3A_733, %broadcast_in_dim3A_736, %select_n3A_727 : vector<1x2048xi1>, vector<1x2048xi32>
    %slice3A_738 = vector.extract_strided_slice %concatenate3A {offsets = [0, 29], sizes = [1, 2048], strides = [1, 1]} : vector<1x2079xf32> to vector<1x2048xf32>
    %slice3A_739 = vector.extract_strided_slice %concatenate3A_445 {offsets = [0, 29], sizes = [1, 2048], strides = [1, 1]} : vector<1x2079xf32> to vector<1x2048xf32>
    %sub3A_740 = arith.subf %get3A_431, %slice3A_738 : vector<1x2048xf32>
    %sub3A_741 = arith.subf %slice3A_739, %get3A_431 : vector<1x2048xf32>
    %max3A_742 = arith.maximumf %sub3A_740, %sub3A_741 : vector<1x2048xf32>
    %lt3A_743 = arith.cmpf olt, %max3A_742, %select_n3A_734 : vector<1x2048xf32>
    %select_n3A_744 = arith.select %lt3A_743, %max3A_742, %select_n3A_734 : vector<1x2048xi1>, vector<1x2048xf32>
    %jit3A_745 = arith.constant 29 : i32
    %broadcast_in_dim3A_746 = vector.broadcast %jit3A_745 : i32 to vector<1x2048xi32>
    %select_n3A_747 = arith.select %lt3A_743, %broadcast_in_dim3A_746, %select_n3A_737 : vector<1x2048xi1>, vector<1x2048xi32>
    %slice3A_748 = vector.extract_strided_slice %concatenate3A {offsets = [0, 30], sizes = [1, 2048], strides = [1, 1]} : vector<1x2079xf32> to vector<1x2048xf32>
    %slice3A_749 = vector.extract_strided_slice %concatenate3A_445 {offsets = [0, 30], sizes = [1, 2048], strides = [1, 1]} : vector<1x2079xf32> to vector<1x2048xf32>
    %sub3A_750 = arith.subf %get3A_431, %slice3A_748 : vector<1x2048xf32>
    %sub3A_751 = arith.subf %slice3A_749, %get3A_431 : vector<1x2048xf32>
    %max3A_752 = arith.maximumf %sub3A_750, %sub3A_751 : vector<1x2048xf32>
    %lt3A_753 = arith.cmpf olt, %max3A_752, %select_n3A_744 : vector<1x2048xf32>
    %select_n3A_754 = arith.select %lt3A_753, %max3A_752, %select_n3A_744 : vector<1x2048xi1>, vector<1x2048xf32>
    %jit3A_755 = arith.constant 30 : i32
    %broadcast_in_dim3A_756 = vector.broadcast %jit3A_755 : i32 to vector<1x2048xi32>
    %select_n3A_757 = arith.select %lt3A_753, %broadcast_in_dim3A_756, %select_n3A_747 : vector<1x2048xi1>, vector<1x2048xi32>
    %slice3A_758 = vector.extract_strided_slice %concatenate3A {offsets = [0, 31], sizes = [1, 2048], strides = [1, 1]} : vector<1x2079xf32> to vector<1x2048xf32>
    %slice3A_759 = vector.extract_strided_slice %concatenate3A_445 {offsets = [0, 31], sizes = [1, 2048], strides = [1, 1]} : vector<1x2079xf32> to vector<1x2048xf32>
    %sub3A_760 = arith.subf %get3A_431, %slice3A_758 : vector<1x2048xf32>
    %sub3A_761 = arith.subf %slice3A_759, %get3A_431 : vector<1x2048xf32>
    %max3A_762 = arith.maximumf %sub3A_760, %sub3A_761 : vector<1x2048xf32>
    %lt3A_763 = arith.cmpf olt, %max3A_762, %select_n3A_754 : vector<1x2048xf32>
    %jit3A_764 = arith.constant 31 : i32
    %broadcast_in_dim3A_765 = vector.broadcast %jit3A_764 : i32 to vector<1x2048xi32>
    %select_n3A_766 = arith.select %lt3A_763, %broadcast_in_dim3A_765, %select_n3A_757 : vector<1x2048xi1>, vector<1x2048xi32>
    %iota3A_767 = tpu.iota {dimensions = array<i32: 1>} : vector<1x2048xi32>
    %add3A_768 = arith.addi %iota3A_767, %select_n3A_766 : vector<1x2048xi32>
    %sub3A_769 = arith.constant 31 : i32
    %sub3A_770 = vector.broadcast %sub3A_769 : i32 to vector<1x2048xi32>
    %sub3A_771 = arith.subi %add3A_768, %sub3A_770 : vector<1x2048xi32>
    %jit3A_772 = arith.constant 0 : i32
    %jit3A_773 = arith.constant 2016 : i32
    %max3A_774 = vector.broadcast %jit3A_772 : i32 to vector<1x2048xi32>
    %max3A_775 = arith.maxsi %max3A_774, %sub3A_771 : vector<1x2048xi32>
    %min3A = vector.broadcast %jit3A_773 : i32 to vector<1x2048xi32>
    %min3A_776 = arith.minsi %min3A, %max3A_775 : vector<1x2048xi32>
    %swap3A_777 = arith.constant 0 : index
    %swap3A_778 = arith.constant 0 : index
    %swap3A_779 = vector.load %arg3[%swap3A_777, %swap3A_778] : memref<1x2048xi32, #tpu.memory_space<vmem>>, vector<1x2048xi32>
    tpu.vector_store %arg3[%swap3A_777, %swap3A_778], %min3A_776 {strides = array<i32>} : memref<1x2048xi32, #tpu.memory_space<vmem>>, vector<1x2048xi32>,
    return
  }
}

</mosaic_0001>

<sc_bundles>
// kernel: kernel.6.cloned.1.call-start
scs
__scs_entry_jumppad:
0x0: {  	(pc) =	sbr.rel $0x88, $3  }
0x1: {  	(tag) =	ssettag $0x0;
	lr =	simm.s32 $0x1  }
0x2: {  	[smem:$0x3F9B] =	sst lr;
	_ =	strace $0xD0000000  }
0x3: {  	_ = 	snop  }
0x4: {  	_ = 	snop  }
0x5: {  	_ = 	snop  }
0x6: {  	_ = 	snop  }
0x7: {  	_ = 	snop  }
__scs_overlays_trampoline_lowered:
0x8: {  	[smem:$0x3FAA] =	sst s0  }
0x9: {  	[smem:$0x3FAB] =	sst s1  }
0xa: {  	[smem:$0x3FAC] =	sst s2  }
0xb: {  	[smem:$0x3FAD] =	sst s3  }
0xc: {  	[smem:$0x3FAE] =	sst s4  }
0xd: {  	[smem:$0x3FAF] =	sst s5  }
0xe: {  	[smem:$0x3FB0] =	sst s6  }
0xf: {  	[smem:$0x3FB1] =	sst s7  }
0x10: {  	[smem:$0x3FB2] =	sst s8  }
0x11: {  	[smem:$0x3FB3] =	sst s9;
	s0 =	simm.s32 @!p0 $0x0  }
0x12: {  	s1 =	sld [smem:$0x3F99];
	s0 =	simm.s32 @p0 $0x1  }
0x13: {  	[smem:$0x3FB4] =	sst s0;
	s0 =	simm.s32 @!p1 $0x0  }
0x14: {  	s2 =	sld [smem:$0x3F98];
	s0 =	simm.s32 @p1 $0x1  }
0x15: {  	[smem:$0x3FB5] =	sst s0;
	s0 =	simm.s32 @!p2 $0x0  }
0x16: {  	s3 =	sld [smem:$0x3FDB];
	s0 =	simm.s32 @p2 $0x1  }
0x17: {  	s4 =	simm.s32 $0x1BF5;
	[smem:$0x3FB7] =	sst s0  }
0x18: {  	s0 =	sld [smem:$0x3F9A];
	_ =	swait.ge [sflag:s4], $0x0  }
0x19: {  	s7 =	sld [smem:$0x3F9B]  }
0x1a: {  	s8 =	sadd.s32 $0xFFFFE003, lr  }
0x1b: {  	s9 =	sadd.s32 $0xFFFFFEF7, lr;
	s5 =	simm.s32 $0xFFFFFFFF;
	p2 =	slt.u32 s8, $0xFFFFF086  }
0x1c: {  	p1 =	slt.u32 s9, $0xF7A;
	s5 =	simm.s32 @!p2 $0x0  }
0x1d: {  	s5 =	simm.s32 @p1 $0x1;
	p0 =	seq.s32 s7, s2  }
0x1e: {  	s7 =	smul.u32 @!p0 $0xF7A, s2;
	p2 =	seq.s32 @!p0 s5, $0x0  }
0x1f: {  	s9 =	smul.u32 $0xF7A, s1;
	s8 =	simm.s32 @!p0 $0x1BF5;
	p2 =	por !p2, p0  }
0x20: {  	[sflag:s8] =	ssyncset.s32 @!p0 $0xFFFFF086;
	s6 =	sadd.s32 @!p0 s3, s7;
	s7 =	simm.s32 @!p0 $0x108  }
0x21: {  	s3 =	sadd.s32 s3, s9;
	s6 =	sadd.s32 @!p0 $0x88, s6;
	s7 =	simm.s32 @p2 $0x1082  }
0x22: {  	[simem:s7], [sflag:s8] =	dma.local @!p0 [hbm:s6], $0xF7A  }
0x23: {  	s9 =	sor.u32 $0xD0000000, s2;
	s6 =	simm.s32 $0x108;
	_ =	swait.ge @!p0 [sflag:s8], $0x0  }
0x24: {  	s3 =	sadd.s32 $0x88, s3;
	s6 =	simm.s32 @!p1 $0x1082;
	[sflag:s4] =	ssyncset.s32 $0xFFFFF086  }
0x25: {  	[simem:s6], [sflag:s4] =	dma.local [hbm:s3], $0xF7A  }
0x26: {  	[smem:$0x3F9B] =	sst s1;
	(tag) =	ssettag s2;
	_ =	strace s9  }
0x27: {  	s1 =	sld [smem:$0x3FAB]  }
0x28: {  	s2 =	sld [smem:$0x3FAC]  }
0x29: {  	s4 =	sld [smem:$0x3FAE]  }
0x2a: {  	p0 =	seq.s32 s5, $0x0;
	s5 =	sld [smem:$0x3FAF]  }
0x2b: {  	s6 =	sld [smem:$0x3FB0]  }
0x2c: {  	s7 =	sld [smem:$0x3FB1]  }
0x2d: {  	s3 =	simm.s32 $0x108;
	s8 =	sld [smem:$0x3FB2]  }
0x2e: {  	s3 =	simm.s32 @!p0 $0x1082;
	s9 =	sld [smem:$0x3FB3]  }
0x2f: {  	lr =	sadd.s32 s0, s3;
	s0 =	sld [smem:$0x3FAA]  }
0x30: {  	s3 =	sld [smem:$0x3FAD]  }
0x31: {  	[smem:$0x3FB6] =	sst s10  }
0x32: {  	s10 =	sld [smem:$0x3FB4];
	_ =	sdelay $0x3  }
0x33: {  	p0 =	seq.s32 s10, $0x1;
	s10 =	sld [smem:$0x3FB6];
	_ =	sdelay $0x3  }
0x34: {  	[smem:$0x3FB6] =	sst s10  }
0x35: {  	s10 =	sld [smem:$0x3FB5];
	_ =	sdelay $0x3  }
0x36: {  	p1 =	seq.s32 s10, $0x1;
	s10 =	sld [smem:$0x3FB6];
	_ =	sdelay $0x3  }
0x37: {  	[smem:$0x3FB6] =	sst s10  }
0x38: {  	s10 =	sld [smem:$0x3FB7]  }
0x39: {  	_ = 	snop;
	(pc) =	sbr.ind lr, $3  }
0x3a: {  	_ = 	snop  }
0x3b: {  	_ = 	snop  }
0x3c: {  	p2 =	seq.s32 s10, $0x1;
	s10 =	sld [smem:$0x3FB6]  }
0x3d: {  	_ =	shalt  }
0x3e: {  	_ =	shalt  }
0x3f: {  	_ =	shalt  }
0x40: {  	_ =	shalt  }
0x41: {  	_ =	shalt  }
0x42: {  	_ =	shalt  }
0x43: {  	_ =	shalt  }
0x44: {  	_ =	shalt  }
0x45: {  	_ =	shalt  }
0x46: {  	_ =	shalt  }
0x47: {  	_ =	shalt  }
0x48: {  	_ =	shalt  }
0x49: {  	_ =	shalt  }
0x4a: {  	_ =	shalt  }
0x4b: {  	_ =	shalt  }
0x4c: {  	_ =	shalt  }
0x4d: {  	_ =	shalt  }
0x4e: {  	_ =	shalt  }
0x4f: {  	_ =	shalt  }
0x50: {  	_ =	shalt  }
0x51: {  	_ =	shalt  }
0x52: {  	_ =	shalt  }
0x53: {  	_ =	shalt  }
0x54: {  	_ =	shalt  }
0x55: {  	_ =	shalt  }
0x56: {  	_ =	shalt  }
0x57: {  	_ =	shalt  }
0x58: {  	_ =	shalt  }
0x59: {  	_ =	shalt  }
0x5a: {  	_ =	shalt  }
0x5b: {  	_ =	shalt  }
0x5c: {  	_ =	shalt  }
0x5d: {  	_ =	shalt  }
0x5e: {  	_ =	shalt  }
0x5f: {  	_ =	shalt  }
0x60: {  	_ =	shalt  }
0x61: {  	_ =	shalt  }
0x62: {  	_ =	shalt  }
0x63: {  	_ =	shalt  }
0x64: {  	_ =	shalt  }
0x65: {  	_ =	shalt  }
0x66: {  	_ =	shalt  }
0x67: {  	_ =	shalt  }
0x68: {  	_ =	shalt  }
0x69: {  	_ =	shalt  }
0x6a: {  	_ =	shalt  }
0x6b: {  	_ =	shalt  }
0x6c: {  	_ =	shalt  }
0x6d: {  	_ =	shalt  }
0x6e: {  	_ =	shalt  }
0x6f: {  	_ =	shalt  }
0x70: {  	_ =	shalt  }
0x71: {  	_ =	shalt  }
0x72: {  	_ =	shalt  }
0x73: {  	_ =	shalt  }
0x74: {  	_ =	shalt  }
0x75: {  	_ =	shalt  }
0x76: {  	_ =	shalt  }
0x77: {  	_ =	shalt  }
0x78: {  	_ =	shalt  }
0x79: {  	_ =	shalt  }
0x7a: {  	_ =	shalt  }
0x7b: {  	_ =	shalt  }
0x7c: {  	_ =	shalt  }
0x7d: {  	_ =	shalt  }
0x7e: {  	_ =	shalt  }
0x7f: {  	_ =	shalt  }
0x80: {  	_ =	shalt  }
0x81: {  	_ =	shalt  }
0x82: {  	_ =	shalt  }
0x83: {  	_ =	shalt  }
0x84: {  	_ =	shalt  }
0x85: {  	_ =	shalt  }
0x86: {  	_ =	shalt  }
0x87: {  	_ =	shalt  }
.Lfunc_end0:
.L_simem_size_0:
called_computation_lowered:
.L_overlay_start_0:
0x88: {  	s2 =	sld [smem:$0x3FD9]  }
0x89: {  	s3 =	sld [smem:$0x3FFE];
	_ =	sdelay $0x1  }
0x8a: {  	s1 =	srdreg.scid  }
0x8b: {  	s0 =	sand.u32 $0x1, s1  }
0x8c: {  	s17 =	sshll.u32 s0, $0xA;
	s2 =	sadd.s32 s3, s2  }
0x8d: {  	s2 =	sadd.s32 s2, s17  }
0x8e: {  	[smem:$0x3FC2] =	sst s2  }
0x8f: {  	_ = 	snop  }
0x90: {  	s2 =	sld [smem:$0x3FC9]  }
0x91: {  	s18 =	sld [smem:$0x3FD0];
	(tm) =	ssettm $0x1  }
0x92: {  	s4 =	sld [smem:$0x3FFB];
	_ =	sdelay $0x3  }
0x93: {  	_ =	strace s4  }
0x94: {  	s4 =	sld [smem:$0x3FFC];
	_ =	sdelay $0x3  }
0x95: {  	_ =	strace s4  }
0x96: {  	s4 =	sld [smem:$0x3FFD];
	_ =	sdelay $0x3  }
0x97: {  	_ =	strace s4  }
0x98: {  	_ =	strace $0x8FFFFFFF  }
0x99: {  	s19 =	sld [smem:$0x3FDB];
	_ =	sdelay $0x1  }
0x9a: {  	s5 =	simm.s32 $_scs_section_size  }
0x9b: {  	s6 =	simm.s32 $_size__tile_overlayer_lowered;
	s7 =	simm.s32 $_tile_overlayer_lowered  }
0x9c: {  	s22 =	simm.s32 $0x1BFF;
	s21 =	sshll.u32 s7, $0x1;
	s4 =	sadd.s32 s5, s19  }
0x9d: {  	s8 =	simm.s32 $0x0;
	s20 =	sshll.u32 s6, $0x1;
	s6 =	sadd.s32 s21, s4  }
0x9e: {  	[timem:s8], [sflag:s22] =	dma.local [hbm:s6], s20  }
0x9f: {  	_ =	swait.ge [sflag:s22], s20  }
0xa0: {  	s5 =	ssub.s32 $0x0, s20;
	[sflag:s22] =	ssyncset.done $0x0  }
0xa1: {  	[sflag:s22] =	ssyncadd.s32 s5;
	_ =	sdelay $0x1  }
0xa2: {  	s23 =	simm.s32 $0x1B8B  }
0xa3: {  	_ =	swait.ge [sflag:s23], $0x1  }
0xa4: {  	[sflag:s23] =	ssyncset.done $0x0  }
0xa5: {  	s25 =	simm.s32 $0x1B8E;
	s24 =	sld [smem:$0x3FFE];
	[sflag:s23] =	ssyncadd.s32 $0xFFFFFFFF  }
0xa6: {  	s26 =	simm.s32 $execute0_lowered;
	[smem:$0x3FD2] =	sst s25  }
0xa7: {  	s6 =	sshll.u32 s26, $0x1;
	_ =	strace $0x80000046;
	[dreg:$0x1] =	wrdreg $0xFFFFFFFF  }
0xa8: {  	s28 =	simm.s32 $_size_execute0_lowered;
	s4 =	sadd.s32 s4, s6;
	[dreg:$0x0] =	wrdreg $0x0  }
0xa9: {  	s6 =	sshll.u32 s28, $0x1;
	[dreg:$0x2] =	wrdreg s4  }
0xaa: {  	[dreg:$0x3] =	wrdreg s6  }
0xab: {  	[dreg:$0x4] =	wrdreg $0xC0  }
0xac: {  	_ =	task [dreg:s8], $0x5FFFF  }
0xad: {  	[dreg:$0x1] =	wrdreg $0xFFFFFFFF  }
0xae: {  	[dreg:$0x0] =	wrdreg $0x60  }
0xaf: {  	[dreg:$0x2] =	wrdreg s2  }
0xb0: {  	[dreg:$0x3] =	wrdreg s24  }
0xb1: {  	[dreg:$0x4] =	wrdreg s18  }
0xb2: {  	[dreg:$0x5] =	wrdreg $0x9  }
0xb3: {  	_ =	task.clear_ibuf [dreg:s8], $0x6FFFF;
	_ =	strace $0x90000046  }
0xb4: {  	s29 =	simm.s32 $0x9;
	_ =	strace $0x80000048  }
0xb5: {  	_ =	swait.ge [sflag:s29], $0x1  }
0xb6: {  	[sflag:s29] =	ssyncadd.s32 $0xFFFFFFFF  }
0xb7: {  	_ =	strace $0x90000048  }
0xb8: {  	_ =	sfence  }
0xb9: {  	s30 =	sld [smem:$0x0];
	_ =	sdelay $0x2  }
0xba: {  	s31 =	sshll.u32 s1, $0xD;
	s1 =	sshrl.u32 s1, $0x2  }
0xbb: {  	s3 =	sand.u32 $0x4000, s31;
	s1 =	sadd.s32 s1, s30  }
0xbc: {  	s0 =	sor.u32 s3, s0;
	s1 =	sshll.u32 s1, $0x11  }
0xbd: {  	s0 =	sor.u32 s1, s0  }
0xbe: {  	s0 =	sadd.s32 $0x8F2B, s0  }
0xbf: {  	[sflag:s0] =	ssyncadd.remote.s32 $0x1  }
0xc0: {  	_ =	sfence.sel $0xFFFF  }
0xc1: {  	[dreg:$0x0] =	wrdreg $0xFFFFFFFF;
	(pc) =	sbr.abs _section_cstart, $3  }
0xc2: {  	[dreg:$0x1] =	wrdreg $0xFFFFFFFF  }
0xc3: {  	_ =	task.clear_ibuf [dreg:s8], $0x2FFFF;
	_ =	strace $0x9FFFFFFF  }
0xc4: {  	(tm) =	ssettm $0x7FFFFFFF  }
0xc5: {  	_ =	shalt  }
tec
execute0_lowered:
.L_overlay_start_1:
0x0: {  	(tag) =	ssettag $0x1  }
0x1: {  	s1 =	rddreg [dreg:$0x0]  }
0x2: {  	s2 =	srdreg.scid;
	s4 =	rddreg [dreg:$0x1]  }
0x3: {  	s0 =	stileid.u32;
	s6 =	rddreg [dreg:$0x2];
	s17 =	simm.s32 $0x880  }
0x4: {  	s18 =	simm.s32 $0x1080;
	s19 =	simm.s32 $0x1880;
	s21 =	simm.s32 $0x2080  }
0x5: {  	s22 =	simm.s32 $0x2880;
	s23 =	simm.s32 $0x3080;
	s24 =	simm.s32 $0x3880  }
0x6: {  	s8 =	simm.s32 $0x4080;
	s25 =	simm.s32 $0x4880;
	s2 =	sand.u32 $0x1, s2  }
0x7: {  	s26 =	simm.s32 $0x5080;
	s3 =	sshll.u32 s0, $0x7;
	s5 =	sshll.u32 s2, $0x6  }
0x8: {  	s9 =	simm.s32 $0x80;
	s5 =	sor.u32 s5, s3;
	s3 =	simm.s32 $0x0  }
0x9: {  	s11 =	simm.s32 $0x6080;
	s12 =	simm.s32 $0x6880;
	[smem:$0x7FF] =	sst s3  }
0xa: {  	s13 =	simm.s32 $0x7080;
	_ =	strace $0x80000047;
	[dreg:$0x6] =	wrdreg s17  }
0xb: {  	s14 =	simm.s32 $0x7880;
	s15 =	simm.s32 $0x8080;
	[dreg:$0x7] =	wrdreg s18  }
0xc: {  	s28 =	simm.s32 $0xE080;
	s29 =	simm.s32 $0xE880;
	[dreg:$0x8] =	wrdreg s19  }
0xd: {  	s30 =	simm.s32 $0xF080;
	s2 =	ssub.s32 $0x2, s2;
	[dreg:$0x9] =	wrdreg s21  }
0xe: {  	s31 =	simm.s32 $0xF880;
	s20 =	sshrl.u32 s2, $0x1;
	[dreg:$0xa] =	wrdreg s22  }
0xf: {  	s7 =	sshrl.u32 s5, $0x3;
	s5 =	sshll.u32 s5, $0x7;
	[dreg:$0xb] =	wrdreg s23  }
0x10: {  	s2 =	ssub.s32 s2, s20;
	s20 =	simm.s32 $0xA880;
	[dreg:$0xc] =	wrdreg s24  }
0x11: {  	s4 =	sadd.s32 s7, s4;
	s16 =	sadd.s32 s6, s5;
	[dreg:$0xd] =	wrdreg s8  }
0x12: {  	s5 =	sadd.s32 $0x200, s1;
	s6 =	sadd.s32 $0x300, s1;
	[dreg:$0xe] =	wrdreg s25  }
0x13: {  	s7 =	smax.u32 s2, $0x1;
	s8 =	simm.s32 $0x2;
	[dreg:$0xf] =	wrdreg s26  }
0x14: {  	s17 =	simm.s32 $0x9080;
	s18 =	simm.s32 $0x9880;
	s19 =	simm.s32 $0xA080  }
0x15: {  	s21 =	simm.s32 $0xB080;
	s22 =	simm.s32 $0xB880;
	s23 =	simm.s32 $0xC080  }
0x16: {  	v2 =	vlaneseq.u32;
	s24 =	simm.s32 $0xC880;
	s25 =	simm.s32 $0xD080;
	s26 =	simm.s32 $0xD880  }
0x17: {  	vm0 =	vmmov $0xffff;
	v1 =	vshrl.u32 v2, $0x3;
	s2 =	simm.s32 $0x1;
	s4 =	sadd.s32 $0x2400, s4;
	[dreg:$0x5] =	wrdreg s16  }
0x18: {  	v0 =	vand.u32 $0x7, v2;
	v2 =	vor.u32 $0x8, v2;
	v1 =	vmul.u32 $0x8, v1;
	s16 =	simm.s32 $0x8880;
	[dreg:$0x4] =	wrdreg s4;
	s4 =	sadd.s32 $0x100, s1  }
.LBB2_1:
0x19: {  	s0 =	rddreg [dreg:$0x4]  }
0x1a: {  	[tilespmem:s3], [sflag:$0x2] =	stream.linear.gather [hbm4b:s0+s3], $0x40, $0x38;
	[tilespmem:$0x10080] =	vst v63  }
0x1b: {  	_ =	swait.ge [sflag:s8], $0x40  }
0x1c: {  	[sflag:s8] =	ssyncset.done $0x0  }
0x1d: {  	[sflag:s8] =	ssyncadd.s32 $0xFFFFFFC0  }
0x1e: {  	v3 =	vld [tilespmem:$0x0];
	_ =	sdelay $0x4  }
0x1f: {  	v4 =	vshll.u32 v3, $0x3  }
0x20: {  	v3 =	vand.u32 $0x7, v3;
	v4 =	vand.u32 $0xFFFFFFC0, v4  }
0x21: {  	v3 =	vor.u32 v3, v4  }
0x22: {  	v4 =	vperm.xlane v3, v0;
	_ =	sdelay $0x1  }
0x23: {  	v4 =	vadd.s32 v1, v4;
	_ =	sdelay $0x4  }
0x24: {  	[tilespmem:s9], [sflag:$0x1] =	stream.indirect_vreg.gather [hbm4b:s1+s3], $0x80, v4, vm0, $0xb8;
	[tilespmem:$0x10080] =	vst v63  }
0x25: {  	s0 =	rddreg [dreg:$0x6];
	v3 =	vperm.xlane v3, v2  }
0x26: {  	[tilespmem:s0], [sflag:$0x1] =	stream.indirect_vreg.gather [hbm4b:s4+s3], $0x80, v4, vm0, $0xb8;
	[tilespmem:$0x10080] =	vst v63  }
0x27: {  	s10 =	rddreg [dreg:$0x7];
	v3 =	vadd.s32 v1, v3  }
0x28: {  	[tilespmem:s10], [sflag:$0x1] =	stream.indirect_vreg.gather [hbm4b:s5+s3], $0x80, v4, vm0, $0xb8;
	[tilespmem:$0x10080] =	vst v63  }
0x29: {  	s0 =	rddreg [dreg:$0x8]  }
0x2a: {  	[tilespmem:s0], [sflag:$0x1] =	stream.indirect_vreg.gather [hbm4b:s6+s3], $0x80, v4, vm0, $0xb8;
	[tilespmem:$0x10080] =	vst v63  }
0x2b: {  	s10 =	rddreg [dreg:$0x9]  }
0x2c: {  	[tilespmem:s10], [sflag:$0x1] =	stream.indirect_vreg.gather [hbm4b:s1+s3], $0x80, v3, vm0, $0xb8;
	[tilespmem:$0x10080] =	vst v63  }
0x2d: {  	s0 =	rddreg [dreg:$0xa]  }
0x2e: {  	[tilespmem:s0], [sflag:$0x1] =	stream.indirect_vreg.gather [hbm4b:s4+s3], $0x80, v3, vm0, $0xb8;
	[tilespmem:$0x10080] =	vst v63  }
0x2f: {  	s10 =	rddreg [dreg:$0xb]  }
0x30: {  	[tilespmem:s10], [sflag:$0x1] =	stream.indirect_vreg.gather [hbm4b:s5+s3], $0x80, v3, vm0, $0xb8;
	[tilespmem:$0x10080] =	vst v63  }
0x31: {  	s0 =	rddreg [dreg:$0xc]  }
0x32: {  	[tilespmem:s0], [sflag:$0x1] =	stream.indirect_vreg.gather [hbm4b:s6+s3], $0x80, v3, vm0, $0xb8;
	[tilespmem:$0x10080] =	vst v63  }
0x33: {  	v3 =	vld [tilespmem:$0x10];
	_ =	sdelay $0x4  }
0x34: {  	v61 =	vshll.u32 v3, $0x3  }
0x35: {  	v3 =	vand.u32 $0x7, v3;
	v4 =	vand.u32 $0xFFFFFFC0, v61  }
0x36: {  	v3 =	vor.u32 v3, v4  }
0x37: {  	v4 =	vperm.xlane v3, v0;
	_ =	sdelay $0x1  }
0x38: {  	v4 =	vadd.s32 v1, v4;
	_ =	sdelay $0x3  }
0x39: {  	s0 =	rddreg [dreg:$0xd]  }
0x3a: {  	[tilespmem:s0], [sflag:$0x1] =	stream.indirect_vreg.gather [hbm4b:s1+s3], $0x80, v4, vm0, $0xb8;
	[tilespmem:$0x10080] =	vst v63  }
0x3b: {  	s10 =	rddreg [dreg:$0xe];
	v3 =	vperm.xlane v3, v2  }
0x3c: {  	[tilespmem:s10], [sflag:$0x1] =	stream.indirect_vreg.gather [hbm4b:s4+s3], $0x80, v4, vm0, $0xb8;
	[tilespmem:$0x10080] =	vst v63  }
0x3d: {  	v3 =	vadd.s32 v1, v3;
	s0 =	rddreg [dreg:$0xf]  }
0x3e: {  	[tilespmem:s0], [sflag:$0x1] =	stream.indirect_vreg.gather [hbm4b:s5+s3], $0x80, v4, vm0, $0xb8;
	[tilespmem:$0x10080] =	vst v63  }
0x3f: {  	s10 =	simm.s32 $0x5880  }
0x40: {  	[tilespmem:s10], [sflag:$0x1] =	stream.indirect_vreg.gather [hbm4b:s6+s3], $0x80, v4, vm0, $0xb8;
	[tilespmem:$0x10080] =	vst v63  }
0x41: {  	_ = 	snop  }
0x42: {  	[tilespmem:s11], [sflag:$0x1] =	stream.indirect_vreg.gather [hbm4b:s1+s3], $0x80, v3, vm0, $0xb8;
	[tilespmem:$0x10080] =	vst v63  }
0x43: {  	_ = 	snop  }
0x44: {  	[tilespmem:s12], [sflag:$0x1] =	stream.indirect_vreg.gather [hbm4b:s4+s3], $0x80, v3, vm0, $0xb8;
	[tilespmem:$0x10080] =	vst v63  }
0x45: {  	_ = 	snop  }
0x46: {  	[tilespmem:s13], [sflag:$0x1] =	stream.indirect_vreg.gather [hbm4b:s5+s3], $0x80, v3, vm0, $0xb8;
	[tilespmem:$0x10080] =	vst v63  }
0x47: {  	_ = 	snop  }
0x48: {  	[tilespmem:s14], [sflag:$0x1] =	stream.indirect_vreg.gather [hbm4b:s6+s3], $0x80, v3, vm0, $0xb8;
	[tilespmem:$0x10080] =	vst v63  }
0x49: {  	v3 =	vld [tilespmem:$0x20];
	_ =	sdelay $0x4  }
0x4a: {  	v62 =	vshll.u32 v3, $0x3  }
0x4b: {  	v3 =	vand.u32 $0x7, v3;
	v4 =	vand.u32 $0xFFFFFFC0, v62  }
0x4c: {  	v3 =	vor.u32 v3, v4  }
0x4d: {  	v4 =	vperm.xlane v3, v0;
	_ =	sdelay $0x1  }
0x4e: {  	v4 =	vadd.s32 v1, v4;
	_ =	sdelay $0x4  }
0x4f: {  	[tilespmem:s15], [sflag:$0x1] =	stream.indirect_vreg.gather [hbm4b:s1+s3], $0x80, v4, vm0, $0xb8;
	[tilespmem:$0x10080] =	vst v63  }
0x50: {  	v3 =	vperm.xlane v3, v2  }
0x51: {  	[tilespmem:s16], [sflag:$0x1] =	stream.indirect_vreg.gather [hbm4b:s4+s3], $0x80, v4, vm0, $0xb8;
	[tilespmem:$0x10080] =	vst v63  }
0x52: {  	v3 =	vadd.s32 v1, v3  }
0x53: {  	[tilespmem:s17], [sflag:$0x1] =	stream.indirect_vreg.gather [hbm4b:s5+s3], $0x80, v4, vm0, $0xb8;
	[tilespmem:$0x10080] =	vst v63  }
0x54: {  	_ = 	snop  }
0x55: {  	[tilespmem:s18], [sflag:$0x1] =	stream.indirect_vreg.gather [hbm4b:s6+s3], $0x80, v4, vm0, $0xb8;
	[tilespmem:$0x10080] =	vst v63  }
0x56: {  	_ = 	snop  }
0x57: {  	[tilespmem:s19], [sflag:$0x1] =	stream.indirect_vreg.gather [hbm4b:s1+s3], $0x80, v3, vm0, $0xb8;
	[tilespmem:$0x10080] =	vst v63  }
0x58: {  	_ = 	snop  }
0x59: {  	[tilespmem:s20], [sflag:$0x1] =	stream.indirect_vreg.gather [hbm4b:s4+s3], $0x80, v3, vm0, $0xb8;
	[tilespmem:$0x10080] =	vst v63  }
0x5a: {  	_ = 	snop  }
0x5b: {  	[tilespmem:s21], [sflag:$0x1] =	stream.indirect_vreg.gather [hbm4b:s5+s3], $0x80, v3, vm0, $0xb8;
	[tilespmem:$0x10080] =	vst v63  }
0x5c: {  	_ = 	snop  }
0x5d: {  	[tilespmem:s22], [sflag:$0x1] =	stream.indirect_vreg.gather [hbm4b:s6+s3], $0x80, v3, vm0, $0xb8;
	[tilespmem:$0x10080] =	vst v63  }
0x5e: {  	v3 =	vld [tilespmem:$0x30];
	_ =	sdelay $0x4  }
0x5f: {  	v63 =	vshll.u32 v3, $0x3  }
0x60: {  	v3 =	vand.u32 $0x7, v3;
	v4 =	vand.u32 $0xFFFFFFC0, v63  }
0x61: {  	v3 =	vor.u32 v3, v4  }
0x62: {  	v4 =	vperm.xlane v3, v0;
	_ =	sdelay $0x1  }
0x63: {  	v4 =	vadd.s32 v1, v4;
	_ =	sdelay $0x4  }
0x64: {  	[tilespmem:s23], [sflag:$0x1] =	stream.indirect_vreg.gather [hbm4b:s1+s3], $0x80, v4, vm0, $0xb8;
	[tilespmem:$0x10080] =	vst v63  }
0x65: {  	v3 =	vperm.xlane v3, v2  }
0x66: {  	[tilespmem:s24], [sflag:$0x1] =	stream.indirect_vreg.gather [hbm4b:s4+s3], $0x80, v4, vm0, $0xb8;
	[tilespmem:$0x10080] =	vst v63  }
0x67: {  	v3 =	vadd.s32 v1, v3  }
0x68: {  	[tilespmem:s25], [sflag:$0x1] =	stream.indirect_vreg.gather [hbm4b:s5+s3], $0x80, v4, vm0, $0xb8;
	[tilespmem:$0x10080] =	vst v63  }
0x69: {  	_ = 	snop  }
0x6a: {  	[tilespmem:s26], [sflag:$0x1] =	stream.indirect_vreg.gather [hbm4b:s6+s3], $0x80, v4, vm0, $0xb8;
	[tilespmem:$0x10080] =	vst v63  }
0x6b: {  	_ = 	snop  }
0x6c: {  	[tilespmem:s28], [sflag:$0x1] =	stream.indirect_vreg.gather [hbm4b:s1+s3], $0x80, v3, vm0, $0xb8;
	[tilespmem:$0x10080] =	vst v63  }
0x6d: {  	_ = 	snop  }
0x6e: {  	[tilespmem:s29], [sflag:$0x1] =	stream.indirect_vreg.gather [hbm4b:s4+s3], $0x80, v3, vm0, $0xb8;
	[tilespmem:$0x10080] =	vst v63  }
0x6f: {  	_ = 	snop  }
0x70: {  	[tilespmem:s30], [sflag:$0x1] =	stream.indirect_vreg.gather [hbm4b:s5+s3], $0x80, v3, vm0, $0xb8;
	[tilespmem:$0x10080] =	vst v63  }
0x71: {  	_ = 	snop  }
0x72: {  	[tilespmem:s31], [sflag:$0x1] =	stream.indirect_vreg.gather [hbm4b:s6+s3], $0x80, v3, vm0, $0xb8;
	[tilespmem:$0x10080] =	vst v63  }
0x73: {  	_ =	swait.ge [sflag:s2], $0x10000  }
0x74: {  	p0 =	sne.s32 s7, $0x1;
	[sflag:s2] =	ssyncset.done $0x0  }
.Ltmp0:
0x75: {  	s10 =	rddreg [dreg:$0x5];
	[sflag:s2] =	ssyncadd.s32 $0xFFFF0000;
	(pc) =	sbr.rel @p0 .LBB2_1-.Ltmp0, $4  }
0x76: {  	[hbm4b:s10+s3] =	stream.linear.scatter [tilespmem:s9], [sflag:$0x2], $0x10000, $0x38;
	[tilespmem:$0x10080] =	vst v63  }
0x77: {  	_ =	swait.ge [sflag:s8], $0x10000  }
0x78: {  	[sflag:s8] =	ssyncset.done $0x0  }
0x79: {  	s7 =	sadd.s32 $0xFFFFFFFF, s7;
	[sflag:s8] =	ssyncadd.s32 $0xFFFF0000  }
0x7a: {  	_ =	sfence.sel $0x180000  }
0x7b: {  	[bflag:$0x0] =	sbarrier.arrive $0xFFFF  }
0x7c: {  	_ =	strace $0x90000047  }
0x7d: {  	s0 =	stileid.u32;
	[bflag:$0x2] =	sbarrier.arrive $0xFFFF  }
0x7e: {  	p0 =	sne.s32 s0, $0x0;
	s0 =	rddreg [dreg:$0x3]  }
0x7f: {  	s0 =	sadd.s32 @!p0 $0x100000, s0  }
0x80: {  	[sflag:s0] =	ssyncadd.tile.s32 @!p0 $0x1;
	_ =	shalt  }
.Lfunc_end2:
_tile_overlayer_lowered:
.L_overlay_start_2:
0x81: {  	(tag) =	ssettag $0x2  }
0x82: {  	s0 =	rddreg [dreg:$0x0];
	s2 =	stileid.u32  }
0x83: {  	s1 =	rddreg [dreg:$0x1];
	p0 =	sne.s32 s2, $0x0  }
0x84: {  	s3 =	rddreg [dreg:$0x2];
	[bflag:$0x3] =	sbarrier.arrive $0xFFFF;
	s2 =	simm.s32 @!p0 $0x1C02  }
0x85: {  	[timem:s3], [sflag:s2] =	dma.local @!p0 [hbm:s0], s1  }
0x86: {  	s0 =	simm.s32 @!p0 $0x2  }
0x87: {  	_ =	swait.ge @!p0 [sflag:s0], s1  }
0x88: {  	s1 =	ssub.s32 @!p0 $0x0, s1;
	[sflag:s0] =	ssyncset.done @!p0 $0x0  }
0x89: {  	[sflag:s0] =	ssyncadd.s32 @!p0 s1  }
0x8a: {  	[bflag:$0x3] =	sbarrier.arrive $0xFFFF  }
0x8b: {  	_ =	shalt  }

// kernel: kernel.9.cloned.1.call-start
scs
__scs_entry_jumppad:
0x0: {  	(pc) =	sbr.rel $0x88, $3  }
0x1: {  	(tag) =	ssettag $0x0;
	lr =	simm.s32 $0x1  }
0x2: {  	[smem:$0x3F9B] =	sst lr;
	_ =	strace $0xD0000000  }
0x3: {  	_ = 	snop  }
0x4: {  	_ = 	snop  }
0x5: {  	_ = 	snop  }
0x6: {  	_ = 	snop  }
0x7: {  	_ = 	snop  }
__scs_overlays_trampoline_lowered:
0x8: {  	[smem:$0x3FAA] =	sst s0  }
0x9: {  	[smem:$0x3FAB] =	sst s1  }
0xa: {  	[smem:$0x3FAC] =	sst s2  }
0xb: {  	[smem:$0x3FAD] =	sst s3  }
0xc: {  	[smem:$0x3FAE] =	sst s4  }
0xd: {  	[smem:$0x3FAF] =	sst s5  }
0xe: {  	[smem:$0x3FB0] =	sst s6  }
0xf: {  	[smem:$0x3FB1] =	sst s7  }
0x10: {  	[smem:$0x3FB2] =	sst s8  }
0x11: {  	[smem:$0x3FB3] =	sst s9;
	s0 =	simm.s32 @!p0 $0x0  }
0x12: {  	s1 =	sld [smem:$0x3F99];
	s0 =	simm.s32 @p0 $0x1  }
0x13: {  	[smem:$0x3FB4] =	sst s0;
	s0 =	simm.s32 @!p1 $0x0  }
0x14: {  	s2 =	sld [smem:$0x3F98];
	s0 =	simm.s32 @p1 $0x1  }
0x15: {  	[smem:$0x3FB5] =	sst s0;
	s0 =	simm.s32 @!p2 $0x0  }
0x16: {  	s3 =	sld [smem:$0x3FDB];
	s0 =	simm.s32 @p2 $0x1  }
0x17: {  	s4 =	simm.s32 $0x1BF5;
	[smem:$0x3FB7] =	sst s0  }
0x18: {  	s0 =	sld [smem:$0x3F9A];
	_ =	swait.ge [sflag:s4], $0x0  }
0x19: {  	s7 =	sld [smem:$0x3F9B]  }
0x1a: {  	s8 =	sadd.s32 $0xFFFFE003, lr  }
0x1b: {  	s9 =	sadd.s32 $0xFFFFFEF7, lr;
	s5 =	simm.s32 $0xFFFFFFFF;
	p2 =	slt.u32 s8, $0xFFFFF086  }
0x1c: {  	p1 =	slt.u32 s9, $0xF7A;
	s5 =	simm.s32 @!p2 $0x0  }
0x1d: {  	s5 =	simm.s32 @p1 $0x1;
	p0 =	seq.s32 s7, s2  }
0x1e: {  	s7 =	smul.u32 @!p0 $0xF7A, s2;
	p2 =	seq.s32 @!p0 s5, $0x0  }
0x1f: {  	s9 =	smul.u32 $0xF7A, s1;
	s8 =	simm.s32 @!p0 $0x1BF5;
	p2 =	por !p2, p0  }
0x20: {  	[sflag:s8] =	ssyncset.s32 @!p0 $0xFFFFF086;
	s6 =	sadd.s32 @!p0 s3, s7;
	s7 =	simm.s32 @!p0 $0x108  }
0x21: {  	s3 =	sadd.s32 s3, s9;
	s6 =	sadd.s32 @!p0 $0x88, s6;
	s7 =	simm.s32 @p2 $0x1082  }
0x22: {  	[simem:s7], [sflag:s8] =	dma.local @!p0 [hbm:s6], $0xF7A  }
0x23: {  	s9 =	sor.u32 $0xD0000000, s2;
	s6 =	simm.s32 $0x108;
	_ =	swait.ge @!p0 [sflag:s8], $0x0  }
0x24: {  	s3 =	sadd.s32 $0x88, s3;
	s6 =	simm.s32 @!p1 $0x1082;
	[sflag:s4] =	ssyncset.s32 $0xFFFFF086  }
0x25: {  	[simem:s6], [sflag:s4] =	dma.local [hbm:s3], $0xF7A  }
0x26: {  	[smem:$0x3F9B] =	sst s1;
	(tag) =	ssettag s2;
	_ =	strace s9  }
0x27: {  	s1 =	sld [smem:$0x3FAB]  }
0x28: {  	s2 =	sld [smem:$0x3FAC]  }
0x29: {  	s4 =	sld [smem:$0x3FAE]  }
0x2a: {  	p0 =	seq.s32 s5, $0x0;
	s5 =	sld [smem:$0x3FAF]  }
0x2b: {  	s6 =	sld [smem:$0x3FB0]  }
0x2c: {  	s7 =	sld [smem:$0x3FB1]  }
0x2d: {  	s3 =	simm.s32 $0x108;
	s8 =	sld [smem:$0x3FB2]  }
0x2e: {  	s3 =	simm.s32 @!p0 $0x1082;
	s9 =	sld [smem:$0x3FB3]  }
0x2f: {  	lr =	sadd.s32 s0, s3;
	s0 =	sld [smem:$0x3FAA]  }
0x30: {  	s3 =	sld [smem:$0x3FAD]  }
0x31: {  	[smem:$0x3FB6] =	sst s10  }
0x32: {  	s10 =	sld [smem:$0x3FB4];
	_ =	sdelay $0x3  }
0x33: {  	p0 =	seq.s32 s10, $0x1;
	s10 =	sld [smem:$0x3FB6];
	_ =	sdelay $0x3  }
0x34: {  	[smem:$0x3FB6] =	sst s10  }
0x35: {  	s10 =	sld [smem:$0x3FB5];
	_ =	sdelay $0x3  }
0x36: {  	p1 =	seq.s32 s10, $0x1;
	s10 =	sld [smem:$0x3FB6];
	_ =	sdelay $0x3  }
0x37: {  	[smem:$0x3FB6] =	sst s10  }
0x38: {  	s10 =	sld [smem:$0x3FB7]  }
0x39: {  	_ = 	snop;
	(pc) =	sbr.ind lr, $3  }
0x3a: {  	_ = 	snop  }
0x3b: {  	_ = 	snop  }
0x3c: {  	p2 =	seq.s32 s10, $0x1;
	s10 =	sld [smem:$0x3FB6]  }
0x3d: {  	_ =	shalt  }
0x3e: {  	_ =	shalt  }
0x3f: {  	_ =	shalt  }
0x40: {  	_ =	shalt  }
0x41: {  	_ =	shalt  }
0x42: {  	_ =	shalt  }
0x43: {  	_ =	shalt  }
0x44: {  	_ =	shalt  }
0x45: {  	_ =	shalt  }
0x46: {  	_ =	shalt  }
0x47: {  	_ =	shalt  }
0x48: {  	_ =	shalt  }
0x49: {  	_ =	shalt  }
0x4a: {  	_ =	shalt  }
0x4b: {  	_ =	shalt  }
0x4c: {  	_ =	shalt  }
0x4d: {  	_ =	shalt  }
0x4e: {  	_ =	shalt  }
0x4f: {  	_ =	shalt  }
0x50: {  	_ =	shalt  }
0x51: {  	_ =	shalt  }
0x52: {  	_ =	shalt  }
0x53: {  	_ =	shalt  }
0x54: {  	_ =	shalt  }
0x55: {  	_ =	shalt  }
0x56: {  	_ =	shalt  }
0x57: {  	_ =	shalt  }
0x58: {  	_ =	shalt  }
0x59: {  	_ =	shalt  }
0x5a: {  	_ =	shalt  }
0x5b: {  	_ =	shalt  }
0x5c: {  	_ =	shalt  }
0x5d: {  	_ =	shalt  }
0x5e: {  	_ =	shalt  }
0x5f: {  	_ =	shalt  }
0x60: {  	_ =	shalt  }
0x61: {  	_ =	shalt  }
0x62: {  	_ =	shalt  }
0x63: {  	_ =	shalt  }
0x64: {  	_ =	shalt  }
0x65: {  	_ =	shalt  }
0x66: {  	_ =	shalt  }
0x67: {  	_ =	shalt  }
0x68: {  	_ =	shalt  }
0x69: {  	_ =	shalt  }
0x6a: {  	_ =	shalt  }
0x6b: {  	_ =	shalt  }
0x6c: {  	_ =	shalt  }
0x6d: {  	_ =	shalt  }
0x6e: {  	_ =	shalt  }
0x6f: {  	_ =	shalt  }
0x70: {  	_ =	shalt  }
0x71: {  	_ =	shalt  }
0x72: {  	_ =	shalt  }
0x73: {  	_ =	shalt  }
0x74: {  	_ =	shalt  }
0x75: {  	_ =	shalt  }
0x76: {  	_ =	shalt  }
0x77: {  	_ =	shalt  }
0x78: {  	_ =	shalt  }
0x79: {  	_ =	shalt  }
0x7a: {  	_ =	shalt  }
0x7b: {  	_ =	shalt  }
0x7c: {  	_ =	shalt  }
0x7d: {  	_ =	shalt  }
0x7e: {  	_ =	shalt  }
0x7f: {  	_ =	shalt  }
0x80: {  	_ =	shalt  }
0x81: {  	_ =	shalt  }
0x82: {  	_ =	shalt  }
0x83: {  	_ =	shalt  }
0x84: {  	_ =	shalt  }
0x85: {  	_ =	shalt  }
0x86: {  	_ =	shalt  }
0x87: {  	_ =	shalt  }
.Lfunc_end0:
.L_simem_size_0:
called_computation.1_lowered:
.L_overlay_start_0:
0x88: {  	s2 =	sld [smem:$0x3FD9]  }
0x89: {  	s3 =	sld [smem:$0x3FFE];
	_ =	sdelay $0x1  }
0x8a: {  	s1 =	srdreg.scid  }
0x8b: {  	s0 =	sand.u32 $0x1, s1  }
0x8c: {  	s17 =	sshll.u32 s0, $0xA;
	s2 =	sadd.s32 s3, s2  }
0x8d: {  	s2 =	sadd.s32 s2, s17  }
0x8e: {  	[smem:$0x3FC2] =	sst s2  }
0x8f: {  	_ = 	snop  }
0x90: {  	s2 =	sld [smem:$0x3FD0];
	(tm) =	ssettm $0x1  }
0x91: {  	s18 =	sld [smem:$0x3FFB];
	_ =	sdelay $0x3  }
0x92: {  	_ =	strace s18  }
0x93: {  	s3 =	sld [smem:$0x3FFC];
	_ =	sdelay $0x3  }
0x94: {  	_ =	strace s3  }
0x95: {  	s3 =	sld [smem:$0x3FFD];
	_ =	sdelay $0x3  }
0x96: {  	_ =	strace s3  }
0x97: {  	_ =	strace $0x8FFFFFFF  }
0x98: {  	s19 =	sld [smem:$0x3FDB];
	_ =	sdelay $0x1  }
0x99: {  	s4 =	simm.s32 $_scs_section_size  }
0x9a: {  	s5 =	simm.s32 $_size__tile_overlayer_lowered;
	s6 =	simm.s32 $_tile_overlayer_lowered  }
0x9b: {  	s22 =	simm.s32 $0x1BFF;
	s21 =	sshll.u32 s6, $0x1;
	s3 =	sadd.s32 s4, s19  }
0x9c: {  	s7 =	simm.s32 $0x0;
	s20 =	sshll.u32 s5, $0x1;
	s5 =	sadd.s32 s21, s3  }
0x9d: {  	[timem:s7], [sflag:s22] =	dma.local [hbm:s5], s20  }
0x9e: {  	_ =	swait.ge [sflag:s22], s20  }
0x9f: {  	s4 =	ssub.s32 $0x0, s20;
	[sflag:s22] =	ssyncset.done $0x0  }
0xa0: {  	[sflag:s22] =	ssyncadd.s32 s4;
	_ =	sdelay $0x1  }
0xa1: {  	s23 =	simm.s32 $0x1B8B  }
0xa2: {  	_ =	swait.ge [sflag:s23], $0x1  }
0xa3: {  	[sflag:s23] =	ssyncset.done $0x0  }
0xa4: {  	s25 =	simm.s32 $0x1B8E;
	s24 =	sld [smem:$0x3FFE];
	[sflag:s23] =	ssyncadd.s32 $0xFFFFFFFF  }
0xa5: {  	s26 =	simm.s32 $execute0_lowered;
	[smem:$0x3FD2] =	sst s25  }
0xa6: {  	s5 =	sshll.u32 s26, $0x1;
	_ =	strace $0x80000049;
	[dreg:$0x1] =	wrdreg $0xFFFFFFFF  }
0xa7: {  	s28 =	simm.s32 $_size_execute0_lowered;
	s3 =	sadd.s32 s3, s5;
	[dreg:$0x0] =	wrdreg $0x0  }
0xa8: {  	s5 =	sshll.u32 s28, $0x1;
	[dreg:$0x2] =	wrdreg s3  }
0xa9: {  	[dreg:$0x3] =	wrdreg s5  }
0xaa: {  	[dreg:$0x4] =	wrdreg $0xC0  }
0xab: {  	_ =	task [dreg:s7], $0x5FFFF  }
0xac: {  	[dreg:$0x1] =	wrdreg $0xFFFFFFFF  }
0xad: {  	[dreg:$0x0] =	wrdreg $0x60  }
0xae: {  	[dreg:$0x2] =	wrdreg s24  }
0xaf: {  	[dreg:$0x3] =	wrdreg s2  }
0xb0: {  	[dreg:$0x4] =	wrdreg $0x9  }
0xb1: {  	_ =	task.clear_ibuf [dreg:s7], $0x5FFFF;
	_ =	strace $0x90000049  }
0xb2: {  	s29 =	simm.s32 $0x9;
	_ =	strace $0x8000004B  }
0xb3: {  	_ =	swait.ge [sflag:s29], $0x1  }
0xb4: {  	[sflag:s29] =	ssyncadd.s32 $0xFFFFFFFF  }
0xb5: {  	_ =	strace $0x9000004B  }
0xb6: {  	_ =	sfence  }
0xb7: {  	s30 =	sld [smem:$0x0];
	_ =	sdelay $0x2  }
0xb8: {  	s31 =	sshll.u32 s1, $0xD;
	s1 =	sshrl.u32 s1, $0x2  }
0xb9: {  	s3 =	sand.u32 $0x4000, s31;
	s1 =	sadd.s32 s1, s30  }
0xba: {  	s0 =	sor.u32 s3, s0;
	s1 =	sshll.u32 s1, $0x11  }
0xbb: {  	s0 =	sor.u32 s1, s0  }
0xbc: {  	s0 =	sadd.s32 $0x8F2B, s0  }
0xbd: {  	[sflag:s0] =	ssyncadd.remote.s32 $0x1  }
0xbe: {  	_ =	sfence.sel $0xFFFF  }
0xbf: {  	[dreg:$0x0] =	wrdreg $0xFFFFFFFF;
	(pc) =	sbr.abs _section_cstart, $3  }
0xc0: {  	[dreg:$0x1] =	wrdreg $0xFFFFFFFF  }
0xc1: {  	_ =	task.clear_ibuf [dreg:s7], $0x2FFFF;
	_ =	strace $0x9FFFFFFF  }
0xc2: {  	(tm) =	ssettm $0x7FFFFFFF  }
0xc3: {  	_ =	shalt  }
tec
execute0_lowered:
.L_overlay_start_1:
0x0: {  	(tag) =	ssettag $0x1  }
0x1: {  	s1 =	srdreg.scid  }
0x2: {  	s0 =	stileid.u32;
	s6 =	rddreg [dreg:$0x0]  }
0x3: {  	s4 =	rddreg [dreg:$0x1];
	s18 =	simm.s32 $0x880;
	s19 =	simm.s32 $0x1080  }
0x4: {  	s20 =	simm.s32 $0x1880;
	s22 =	simm.s32 $0x2080;
	s23 =	simm.s32 $0x2880  }
0x5: {  	s7 =	simm.s32 $0x3080;
	s24 =	simm.s32 $0x3880;
	s8 =	simm.s32 $0x4080  }
0x6: {  	s25 =	simm.s32 $0x4880;
	s26 =	simm.s32 $0x5080;
	s1 =	sand.u32 $0x1, s1  }
0x7: {  	s9 =	simm.s32 $0x80;
	s2 =	sshll.u32 s0, $0x7;
	s3 =	sshll.u32 s1, $0x6  }
0x8: {  	s11 =	simm.s32 $0x6080;
	s3 =	sor.u32 s3, s2;
	s2 =	simm.s32 $0x0  }
0x9: {  	s12 =	simm.s32 $0x6880;
	s13 =	simm.s32 $0x7080;
	[smem:$0x7FF] =	sst s2  }
0xa: {  	s14 =	simm.s32 $0x7880;
	_ =	strace $0x8000004A;
	[dreg:$0x5] =	wrdreg s18  }
0xb: {  	s15 =	simm.s32 $0x8080;
	s16 =	simm.s32 $0x8880;
	[dreg:$0x6] =	wrdreg s19  }
0xc: {  	s17 =	simm.s32 $0x9080;
	s28 =	simm.s32 $0xE080;
	[dreg:$0x7] =	wrdreg s20  }
0xd: {  	s29 =	simm.s32 $0xE880;
	s30 =	simm.s32 $0xF080;
	[dreg:$0x8] =	wrdreg s22  }
0xe: {  	s31 =	simm.s32 $0xF880;
	s1 =	ssub.s32 $0x2, s1;
	[dreg:$0x9] =	wrdreg s23  }
0xf: {  	s21 =	sshrl.u32 s1, $0x1;
	s5 =	sshrl.u32 s3, $0x3;
	[dreg:$0xa] =	wrdreg s7  }
0x10: {  	s3 =	sshll.u32 s3, $0x7;
	s1 =	ssub.s32 s1, s21;
	[dreg:$0xb] =	wrdreg s24  }
0x11: {  	s21 =	simm.s32 $0xB080;
	s5 =	sadd.s32 s5, s6;
	[dreg:$0xc] =	wrdreg s8  }
0x12: {  	s3 =	sadd.s32 s4, s3;
	s4 =	sadd.s32 $0x2900, s6;
	[dreg:$0xd] =	wrdreg s25  }
0x13: {  	s7 =	smax.u32 s1, $0x1;
	s8 =	simm.s32 $0x2;
	[dreg:$0xe] =	wrdreg s26  }
0x14: {  	s18 =	simm.s32 $0x9880;
	s19 =	simm.s32 $0xA080;
	s20 =	simm.s32 $0xA880  }
0x15: {  	s22 =	simm.s32 $0xB880;
	s23 =	simm.s32 $0xC080;
	s24 =	simm.s32 $0xC880  }
0x16: {  	v2 =	vlaneseq.u32;
	s25 =	simm.s32 $0xD080;
	s26 =	simm.s32 $0xD880;
	s1 =	simm.s32 $0x1  }
0x17: {  	vm0 =	vmmov $0xffff;
	v1 =	vshrl.u32 v2, $0x3;
	s5 =	sadd.s32 $0x2600, s5;
	[dreg:$0x4] =	wrdreg s3;
	s3 =	sadd.s32 $0x2800, s6  }
0x18: {  	v0 =	vand.u32 $0x7, v2;
	v2 =	vor.u32 $0x8, v2;
	v1 =	vmul.u32 $0x8, v1;
	[dreg:$0x3] =	wrdreg s5;
	s5 =	sadd.s32 $0x2A00, s6;
	s6 =	sadd.s32 $0x2B00, s6  }
.LBB2_1:
0x19: {  	s0 =	rddreg [dreg:$0x3]  }
0x1a: {  	[tilespmem:s2], [sflag:$0x2] =	stream.linear.gather [hbm4b:s0+s2], $0x40, $0x38;
	[tilespmem:$0x10080] =	vst v63  }
0x1b: {  	_ =	swait.ge [sflag:s8], $0x40  }
0x1c: {  	[sflag:s8] =	ssyncset.done $0x0  }
0x1d: {  	[sflag:s8] =	ssyncadd.s32 $0xFFFFFFC0  }
0x1e: {  	v3 =	vld [tilespmem:$0x0];
	_ =	sdelay $0x4  }
0x1f: {  	v4 =	vshll.u32 v3, $0x3  }
0x20: {  	v3 =	vand.u32 $0x7, v3;
	v4 =	vand.u32 $0xFFFFFFC0, v4  }
0x21: {  	v3 =	vor.u32 v3, v4  }
0x22: {  	v4 =	vperm.xlane v3, v0;
	_ =	sdelay $0x1  }
0x23: {  	v4 =	vadd.s32 v1, v4;
	_ =	sdelay $0x4  }
0x24: {  	[tilespmem:s9], [sflag:$0x1] =	stream.indirect_vreg.gather [hbm4b:s3+s2], $0x80, v4, vm0, $0xb8;
	[tilespmem:$0x10080] =	vst v63  }
0x25: {  	s0 =	rddreg [dreg:$0x5];
	v3 =	vperm.xlane v3, v2  }
0x26: {  	[tilespmem:s0], [sflag:$0x1] =	stream.indirect_vreg.gather [hbm4b:s4+s2], $0x80, v4, vm0, $0xb8;
	[tilespmem:$0x10080] =	vst v63  }
0x27: {  	s10 =	rddreg [dreg:$0x6];
	v3 =	vadd.s32 v1, v3  }
0x28: {  	[tilespmem:s10], [sflag:$0x1] =	stream.indirect_vreg.gather [hbm4b:s5+s2], $0x80, v4, vm0, $0xb8;
	[tilespmem:$0x10080] =	vst v63  }
0x29: {  	s0 =	rddreg [dreg:$0x7]  }
0x2a: {  	[tilespmem:s0], [sflag:$0x1] =	stream.indirect_vreg.gather [hbm4b:s6+s2], $0x80, v4, vm0, $0xb8;
	[tilespmem:$0x10080] =	vst v63  }
0x2b: {  	s10 =	rddreg [dreg:$0x8]  }
0x2c: {  	[tilespmem:s10], [sflag:$0x1] =	stream.indirect_vreg.gather [hbm4b:s3+s2], $0x80, v3, vm0, $0xb8;
	[tilespmem:$0x10080] =	vst v63  }
0x2d: {  	s0 =	rddreg [dreg:$0x9]  }
0x2e: {  	[tilespmem:s0], [sflag:$0x1] =	stream.indirect_vreg.gather [hbm4b:s4+s2], $0x80, v3, vm0, $0xb8;
	[tilespmem:$0x10080] =	vst v63  }
0x2f: {  	s10 =	rddreg [dreg:$0xa]  }
0x30: {  	[tilespmem:s10], [sflag:$0x1] =	stream.indirect_vreg.gather [hbm4b:s5+s2], $0x80, v3, vm0, $0xb8;
	[tilespmem:$0x10080] =	vst v63  }
0x31: {  	s0 =	rddreg [dreg:$0xb]  }
0x32: {  	[tilespmem:s0], [sflag:$0x1] =	stream.indirect_vreg.gather [hbm4b:s6+s2], $0x80, v3, vm0, $0xb8;
	[tilespmem:$0x10080] =	vst v63  }
0x33: {  	v3 =	vld [tilespmem:$0x10];
	_ =	sdelay $0x4  }
0x34: {  	v61 =	vshll.u32 v3, $0x3  }
0x35: {  	v3 =	vand.u32 $0x7, v3;
	v4 =	vand.u32 $0xFFFFFFC0, v61  }
0x36: {  	v3 =	vor.u32 v3, v4  }
0x37: {  	v4 =	vperm.xlane v3, v0;
	_ =	sdelay $0x1  }
0x38: {  	v4 =	vadd.s32 v1, v4;
	_ =	sdelay $0x3  }
0x39: {  	s0 =	rddreg [dreg:$0xc]  }
0x3a: {  	[tilespmem:s0], [sflag:$0x1] =	stream.indirect_vreg.gather [hbm4b:s3+s2], $0x80, v4, vm0, $0xb8;
	[tilespmem:$0x10080] =	vst v63  }
0x3b: {  	s10 =	rddreg [dreg:$0xd];
	v3 =	vperm.xlane v3, v2  }
0x3c: {  	[tilespmem:s10], [sflag:$0x1] =	stream.indirect_vreg.gather [hbm4b:s4+s2], $0x80, v4, vm0, $0xb8;
	[tilespmem:$0x10080] =	vst v63  }
0x3d: {  	v3 =	vadd.s32 v1, v3;
	s0 =	rddreg [dreg:$0xe]  }
0x3e: {  	[tilespmem:s0], [sflag:$0x1] =	stream.indirect_vreg.gather [hbm4b:s5+s2], $0x80, v4, vm0, $0xb8;
	[tilespmem:$0x10080] =	vst v63  }
0x3f: {  	s10 =	simm.s32 $0x5880  }
0x40: {  	[tilespmem:s10], [sflag:$0x1] =	stream.indirect_vreg.gather [hbm4b:s6+s2], $0x80, v4, vm0, $0xb8;
	[tilespmem:$0x10080] =	vst v63  }
0x41: {  	_ = 	snop  }
0x42: {  	[tilespmem:s11], [sflag:$0x1] =	stream.indirect_vreg.gather [hbm4b:s3+s2], $0x80, v3, vm0, $0xb8;
	[tilespmem:$0x10080] =	vst v63  }
0x43: {  	_ = 	snop  }
0x44: {  	[tilespmem:s12], [sflag:$0x1] =	stream.indirect_vreg.gather [hbm4b:s4+s2], $0x80, v3, vm0, $0xb8;
	[tilespmem:$0x10080] =	vst v63  }
0x45: {  	_ = 	snop  }
0x46: {  	[tilespmem:s13], [sflag:$0x1] =	stream.indirect_vreg.gather [hbm4b:s5+s2], $0x80, v3, vm0, $0xb8;
	[tilespmem:$0x10080] =	vst v63  }
0x47: {  	_ = 	snop  }
0x48: {  	[tilespmem:s14], [sflag:$0x1] =	stream.indirect_vreg.gather [hbm4b:s6+s2], $0x80, v3, vm0, $0xb8;
	[tilespmem:$0x10080] =	vst v63  }
0x49: {  	v3 =	vld [tilespmem:$0x20];
	_ =	sdelay $0x4  }
0x4a: {  	v62 =	vshll.u32 v3, $0x3  }
0x4b: {  	v3 =	vand.u32 $0x7, v3;
	v4 =	vand.u32 $0xFFFFFFC0, v62  }
0x4c: {  	v3 =	vor.u32 v3, v4  }
0x4d: {  	v4 =	vperm.xlane v3, v0;
	_ =	sdelay $0x1  }
0x4e: {  	v4 =	vadd.s32 v1, v4;
	_ =	sdelay $0x4  }
0x4f: {  	[tilespmem:s15], [sflag:$0x1] =	stream.indirect_vreg.gather [hbm4b:s3+s2], $0x80, v4, vm0, $0xb8;
	[tilespmem:$0x10080] =	vst v63  }
0x50: {  	v3 =	vperm.xlane v3, v2  }
0x51: {  	[tilespmem:s16], [sflag:$0x1] =	stream.indirect_vreg.gather [hbm4b:s4+s2], $0x80, v4, vm0, $0xb8;
	[tilespmem:$0x10080] =	vst v63  }
0x52: {  	v3 =	vadd.s32 v1, v3  }
0x53: {  	[tilespmem:s17], [sflag:$0x1] =	stream.indirect_vreg.gather [hbm4b:s5+s2], $0x80, v4, vm0, $0xb8;
	[tilespmem:$0x10080] =	vst v63  }
0x54: {  	_ = 	snop  }
0x55: {  	[tilespmem:s18], [sflag:$0x1] =	stream.indirect_vreg.gather [hbm4b:s6+s2], $0x80, v4, vm0, $0xb8;
	[tilespmem:$0x10080] =	vst v63  }
0x56: {  	_ = 	snop  }
0x57: {  	[tilespmem:s19], [sflag:$0x1] =	stream.indirect_vreg.gather [hbm4b:s3+s2], $0x80, v3, vm0, $0xb8;
	[tilespmem:$0x10080] =	vst v63  }
0x58: {  	_ = 	snop  }
0x59: {  	[tilespmem:s20], [sflag:$0x1] =	stream.indirect_vreg.gather [hbm4b:s4+s2], $0x80, v3, vm0, $0xb8;
	[tilespmem:$0x10080] =	vst v63  }
0x5a: {  	_ = 	snop  }
0x5b: {  	[tilespmem:s21], [sflag:$0x1] =	stream.indirect_vreg.gather [hbm4b:s5+s2], $0x80, v3, vm0, $0xb8;
	[tilespmem:$0x10080] =	vst v63  }
0x5c: {  	_ = 	snop  }
0x5d: {  	[tilespmem:s22], [sflag:$0x1] =	stream.indirect_vreg.gather [hbm4b:s6+s2], $0x80, v3, vm0, $0xb8;
	[tilespmem:$0x10080] =	vst v63  }
0x5e: {  	v3 =	vld [tilespmem:$0x30];
	_ =	sdelay $0x4  }
0x5f: {  	v63 =	vshll.u32 v3, $0x3  }
0x60: {  	v3 =	vand.u32 $0x7, v3;
	v4 =	vand.u32 $0xFFFFFFC0, v63  }
0x61: {  	v3 =	vor.u32 v3, v4  }
0x62: {  	v4 =	vperm.xlane v3, v0;
	_ =	sdelay $0x1  }
0x63: {  	v4 =	vadd.s32 v1, v4;
	_ =	sdelay $0x4  }
0x64: {  	[tilespmem:s23], [sflag:$0x1] =	stream.indirect_vreg.gather [hbm4b:s3+s2], $0x80, v4, vm0, $0xb8;
	[tilespmem:$0x10080] =	vst v63  }
0x65: {  	v3 =	vperm.xlane v3, v2  }
0x66: {  	[tilespmem:s24], [sflag:$0x1] =	stream.indirect_vreg.gather [hbm4b:s4+s2], $0x80, v4, vm0, $0xb8;
	[tilespmem:$0x10080] =	vst v63  }
0x67: {  	v3 =	vadd.s32 v1, v3  }
0x68: {  	[tilespmem:s25], [sflag:$0x1] =	stream.indirect_vreg.gather [hbm4b:s5+s2], $0x80, v4, vm0, $0xb8;
	[tilespmem:$0x10080] =	vst v63  }
0x69: {  	_ = 	snop  }
0x6a: {  	[tilespmem:s26], [sflag:$0x1] =	stream.indirect_vreg.gather [hbm4b:s6+s2], $0x80, v4, vm0, $0xb8;
	[tilespmem:$0x10080] =	vst v63  }
0x6b: {  	_ = 	snop  }
0x6c: {  	[tilespmem:s28], [sflag:$0x1] =	stream.indirect_vreg.gather [hbm4b:s3+s2], $0x80, v3, vm0, $0xb8;
	[tilespmem:$0x10080] =	vst v63  }
0x6d: {  	_ = 	snop  }
0x6e: {  	[tilespmem:s29], [sflag:$0x1] =	stream.indirect_vreg.gather [hbm4b:s4+s2], $0x80, v3, vm0, $0xb8;
	[tilespmem:$0x10080] =	vst v63  }
0x6f: {  	_ = 	snop  }
0x70: {  	[tilespmem:s30], [sflag:$0x1] =	stream.indirect_vreg.gather [hbm4b:s5+s2], $0x80, v3, vm0, $0xb8;
	[tilespmem:$0x10080] =	vst v63  }
0x71: {  	_ = 	snop  }
0x72: {  	[tilespmem:s31], [sflag:$0x1] =	stream.indirect_vreg.gather [hbm4b:s6+s2], $0x80, v3, vm0, $0xb8;
	[tilespmem:$0x10080] =	vst v63  }
0x73: {  	_ =	swait.ge [sflag:s1], $0x10000  }
0x74: {  	p0 =	sne.s32 s7, $0x1;
	[sflag:s1] =	ssyncset.done $0x0  }
.Ltmp0:
0x75: {  	s10 =	rddreg [dreg:$0x4];
	[sflag:s1] =	ssyncadd.s32 $0xFFFF0000;
	(pc) =	sbr.rel @p0 .LBB2_1-.Ltmp0, $4  }
0x76: {  	[hbm4b:s10+s2] =	stream.linear.scatter [tilespmem:s9], [sflag:$0x2], $0x10000, $0x38;
	[tilespmem:$0x10080] =	vst v63  }
0x77: {  	_ =	swait.ge [sflag:s8], $0x10000  }
0x78: {  	[sflag:s8] =	ssyncset.done $0x0  }
0x79: {  	s7 =	sadd.s32 $0xFFFFFFFF, s7;
	[sflag:s8] =	ssyncadd.s32 $0xFFFF0000  }
0x7a: {  	_ =	sfence.sel $0x180000  }
0x7b: {  	[bflag:$0x0] =	sbarrier.arrive $0xFFFF  }
0x7c: {  	_ =	strace $0x9000004A  }
0x7d: {  	s0 =	stileid.u32;
	[bflag:$0x2] =	sbarrier.arrive $0xFFFF  }
0x7e: {  	p0 =	sne.s32 s0, $0x0;
	s0 =	rddreg [dreg:$0x2]  }
0x7f: {  	s0 =	sadd.s32 @!p0 $0x100000, s0  }
0x80: {  	[sflag:s0] =	ssyncadd.tile.s32 @!p0 $0x1;
	_ =	shalt  }
.Lfunc_end2:
_tile_overlayer_lowered:
.L_overlay_start_2:
0x81: {  	(tag) =	ssettag $0x2  }
0x82: {  	s0 =	rddreg [dreg:$0x0];
	s2 =	stileid.u32  }
0x83: {  	s1 =	rddreg [dreg:$0x1];
	p0 =	sne.s32 s2, $0x0  }
0x84: {  	s3 =	rddreg [dreg:$0x2];
	[bflag:$0x3] =	sbarrier.arrive $0xFFFF;
	s2 =	simm.s32 @!p0 $0x1C02  }
0x85: {  	[timem:s3], [sflag:s2] =	dma.local @!p0 [hbm:s0], s1  }
0x86: {  	s0 =	simm.s32 @!p0 $0x2  }
0x87: {  	_ =	swait.ge @!p0 [sflag:s0], s1  }
0x88: {  	s1 =	ssub.s32 @!p0 $0x0, s1;
	[sflag:s0] =	ssyncset.done @!p0 $0x0  }
0x89: {  	[sflag:s0] =	ssyncadd.s32 @!p0 s1  }
0x8a: {  	[bflag:$0x3] =	sbarrier.arrive $0xFFFF  }
0x8b: {  	_ =	shalt  }

</sc_bundles>
